<compile_context>
chip_gen: v7x
topology: tpu7x:2x2x1
jax: 0.10.2.dev20260603
libtpu: 0.0.44.dev20260713+nightly
codegen_flags: <defaults>
</compile_context>

<pallas_src>
import jax
import jax.numpy as jnp
from jax.experimental import pallas as pl

RATIO = 0.25
R = 0.3
K = 32


def _fps(pos, m):
    n = pos.shape[0]

    def body(i, state):
        sel, dmin, cur = state
        sel = sel.at[i].set(cur)
        d = jnp.sum((pos - pos[cur]) ** 2, axis=-1)
        dmin = jnp.minimum(dmin, d)
        cur = jnp.argmax(dmin).astype(jnp.int32)
        return sel, dmin, cur

    sel0 = jnp.zeros((m,), jnp.int32)
    d0 = jnp.full((n,), jnp.inf, dtype=jnp.float32)
    sel, _, _ = jax.lax.fori_loop(0, m, body, (sel0, d0, jnp.int32(0)))
    return sel


def _identity_kernel(x_ref, o_ref):
    o_ref[...] = x_ref[...]


def kernel(pos, batch, W1, b1, W2, b2, Wc, bc):
    n = pos.shape[0]
    m = int(n * RATIO)
    posc = jax.lax.stop_gradient(pos)
    sel = _fps(posc, m)
    q = posc[sel]
    qn = jnp.sum(q * q, axis=-1)
    pn = jnp.sum(posc * posc, axis=-1)
    d2 = qn[:, None] + pn[None, :] - 2.0 * (q @ posc.T)
    neg, idx = jax.lax.top_k(-d2, K)
    valid = (-neg) <= (R * R)
    pos_i = pos[sel][:, None, :]
    pos_j = pos[idx]
    rel = pos_j - pos_i
    h = jax.nn.relu(rel @ W1 + b1) @ W2 + b2
    h = jnp.where(valid[:, :, None], h, -jnp.inf)
    x = jnp.max(h, axis=1)
    x = jnp.where(jnp.isfinite(x), x, 0.0)
    gb = batch[sel].astype(jnp.int32)
    pooled = jax.ops.segment_max(x, gb, num_segments=1)
    pooled = jnp.where(jnp.isfinite(pooled), pooled, 0.0)
    out = pooled @ Wc + bc
    out = pl.pallas_call(
        _identity_kernel,
        out_shape=jax.ShapeDtypeStruct(out.shape, out.dtype),
    )(out)
    return out

# --- scband reference (transcript-rebuilt; emitter-appended) ---
"""Pipeline reference for scband-net-82343112998912 (READ-ONLY COPY).

The authoritative reference and input builder live on the scoring server;
editing this copy changes nothing except your own understanding.
"""

import jax, jax.numpy as jnp
import numpy as np

RATIO = 0.25
R = 0.3
K = 32
NUM_CLASSES = 10


def _fps(pos, m):
    # farthest point sampling, deterministic start at index 0
    n = pos.shape[0]

    def body(i, state):
        sel, dmin, cur = state
        sel = sel.at[i].set(cur)
        d = jnp.sum((pos - pos[cur]) ** 2, axis=-1)
        dmin = jnp.minimum(dmin, d)
        cur = jnp.argmax(dmin).astype(jnp.int32)
        return sel, dmin, cur

    sel0 = jnp.zeros((m,), jnp.int32)
    d0 = jnp.full((n,), jnp.inf, dtype=jnp.float32)
    sel, _, _ = jax.lax.fori_loop(0, m, body, (sel0, d0, jnp.int32(0)))
    return sel


def _forward(pos, batch, W1, b1, W2, b2, Wc, bc):
    n = pos.shape[0]
    m = int(n * RATIO)
    # index selection (fps / radius) is integer-valued -> no grad path, match torch
    posc = jax.lax.stop_gradient(pos)
    sel = _fps(posc, m)
    # radius search: 32 nearest within R, via matmul-based distances
    q = posc[sel]
    qn = jnp.sum(q * q, axis=-1)
    pn = jnp.sum(posc * posc, axis=-1)
    d2 = qn[:, None] + pn[None, :] - 2.0 * (q @ posc.T)
    neg, idx = jax.lax.top_k(-d2, K)
    valid = (-neg) <= (R * R)
    # message passing: mlp(pos_j - pos_i), max aggregation per query
    pos_i = pos[sel][:, None, :]
    pos_j = pos[idx]
    rel = pos_j - pos_i
    h = jax.nn.relu(rel @ W1 + b1) @ W2 + b2
    h = jnp.where(valid[:, :, None], h, -jnp.inf)
    x = jnp.max(h, axis=1)
    x = jnp.where(jnp.isfinite(x), x, 0.0)
    # global max pool over graphs (batch all zeros -> 1 graph)
    gb = batch[sel].astype(jnp.int32)
    pooled = jax.ops.segment_max(x, gb, num_segments=1)
    pooled = jnp.where(jnp.isfinite(pooled), pooled, 0.0)
    return pooled @ Wc + bc


def setup_inputs(seed: int = 0) -> dict:
    key = jax.random.key(seed)
    ks = jax.random.split(key, 8)
    n = 16384
    pos = jax.random.uniform(ks[0], (n, 3), dtype=jnp.float32)
    batch = jnp.zeros((n,), dtype=jnp.int32)
    W1 = jax.random.normal(ks[1], (3, 32), dtype=jnp.float32) * 0.3
    b1 = jnp.zeros((32,), dtype=jnp.float32)
    W2 = jax.random.normal(ks[2], (32, 32), dtype=jnp.float32) * 0.1
    b2 = jnp.zeros((32,), dtype=jnp.float32)
    Wc = jax.random.normal(ks[3], (32, NUM_CLASSES), dtype=jnp.float32) * 0.1
    bc = jnp.zeros((NUM_CLASSES,), dtype=jnp.float32)
    return {"pos": pos, "batch": batch, "W1": W1, "b1": b1, "W2": W2, "b2": b2, "Wc": Wc, "bc": bc}


def reference(pos, batch, W1, b1, W2, b2, Wc, bc):
    return _forward(pos, batch, W1, b1, W2, b2, Wc, bc)

if __name__ == "__main__":
    import jax
    _d = setup_inputs()
    print(jax.jit(kernel)(*tuple(_d.values())))

</pallas_src>

<mosaic_0001>
module attributes {stable_mosaic.version = 14 : i64} {
  func.func @_identity_kernel(%arg0: memref<1x10xf32, #tpu.memory_space<vmem>>, %arg1: memref<1x10xf32, #tpu.memory_space<vmem>>) attributes {dimension_semantics = [], scalar_prefetch = 0 : i64, scratch_operands = 0 : i64, tpu.core_type = #tpu.core_type<tc>} {
    %get3A = arith.constant 0 : index
    %get3A_0 = arith.constant 0 : index
    %get3A_1 = vector.load %arg0[%get3A, %get3A_0] : memref<1x10xf32, #tpu.memory_space<vmem>>, vector<1x10xf32>
    %swap3A = arith.constant 0 : index
    %swap3A_2 = arith.constant 0 : index
    %swap3A_3 = vector.load %arg1[%swap3A, %swap3A_2] : memref<1x10xf32, #tpu.memory_space<vmem>>, vector<1x10xf32>
    tpu.vector_store %arg1[%swap3A, %swap3A_2], %get3A_1 {strides = array<i32>} : memref<1x10xf32, #tpu.memory_space<vmem>>, vector<1x10xf32>,
    return
  }
}

</mosaic_0001>

<sc_bundles>
// kernel: gather_offload_async_start.1
scs
__scs_entry_jumppad:
0x0: {  	(pc) =	sbr.rel $0x88, $3  }
0x1: {  	(tag) =	ssettag $0x0;
	lr =	simm.s32 $0x1  }
0x2: {  	[smem:$0x3F99] =	sst lr;
	_ =	strace $0xD0000000  }
0x3: {  	_ = 	snop  }
0x4: {  	_ = 	snop  }
0x5: {  	_ = 	snop  }
0x6: {  	_ = 	snop  }
0x7: {  	_ = 	snop  }
__scs_overlays_trampoline_lowered:
0x8: {  	[smem:$0x3FA8] =	sst s0  }
0x9: {  	[smem:$0x3FA9] =	sst s1  }
0xa: {  	[smem:$0x3FAA] =	sst s2  }
0xb: {  	[smem:$0x3FAB] =	sst s3  }
0xc: {  	[smem:$0x3FAC] =	sst s4  }
0xd: {  	[smem:$0x3FAD] =	sst s5  }
0xe: {  	[smem:$0x3FAE] =	sst s6  }
0xf: {  	[smem:$0x3FAF] =	sst s7  }
0x10: {  	[smem:$0x3FB0] =	sst s8  }
0x11: {  	[smem:$0x3FB1] =	sst s9;
	s0 =	simm.s32 @!p0 $0x0  }
0x12: {  	s1 =	sld [smem:$0x3F97];
	s0 =	simm.s32 @p0 $0x1  }
0x13: {  	[smem:$0x3FB2] =	sst s0;
	s0 =	simm.s32 @!p1 $0x0  }
0x14: {  	s2 =	sld [smem:$0x3F96];
	s0 =	simm.s32 @p1 $0x1  }
0x15: {  	[smem:$0x3FB3] =	sst s0;
	s0 =	simm.s32 @!p2 $0x0  }
0x16: {  	s3 =	sld [smem:$0x3FDB];
	s0 =	simm.s32 @p2 $0x1  }
0x17: {  	s4 =	simm.s32 $0x1BF5;
	[smem:$0x3FB5] =	sst s0  }
0x18: {  	s0 =	sld [smem:$0x3F98];
	_ =	swait.ge [sflag:s4], $0x0  }
0x19: {  	s7 =	sld [smem:$0x3F99]  }
0x1a: {  	s8 =	sadd.s32 $0xFFFFE003, lr  }
0x1b: {  	s9 =	sadd.s32 $0xFFFFFEF7, lr;
	s5 =	simm.s32 $0xFFFFFFFF;
	p2 =	slt.u32 s8, $0xFFFFF086  }
0x1c: {  	p1 =	slt.u32 s9, $0xF7A;
	s5 =	simm.s32 @!p2 $0x0  }
0x1d: {  	s5 =	simm.s32 @p1 $0x1;
	p0 =	seq.s32 s7, s2  }
0x1e: {  	s7 =	smul.u32 @!p0 $0xF7A, s2;
	p2 =	seq.s32 @!p0 s5, $0x0  }
0x1f: {  	s9 =	smul.u32 $0xF7A, s1;
	s8 =	simm.s32 @!p0 $0x1BF5;
	p2 =	por !p2, p0  }
0x20: {  	[sflag:s8] =	ssyncset.s32 @!p0 $0xFFFFF086;
	s6 =	sadd.s32 @!p0 s3, s7;
	s7 =	simm.s32 @!p0 $0x108  }
0x21: {  	s3 =	sadd.s32 s3, s9;
	s6 =	sadd.s32 @!p0 $0x88, s6;
	s7 =	simm.s32 @p2 $0x1082  }
0x22: {  	[simem:s7], [sflag:s8] =	dma.local @!p0 [hbm:s6], $0xF7A  }
0x23: {  	s9 =	sor.u32 $0xD0000000, s2;
	s6 =	simm.s32 $0x108;
	_ =	swait.ge @!p0 [sflag:s8], $0x0  }
0x24: {  	s3 =	sadd.s32 $0x88, s3;
	s6 =	simm.s32 @!p1 $0x1082;
	[sflag:s4] =	ssyncset.s32 $0xFFFFF086  }
0x25: {  	[simem:s6], [sflag:s4] =	dma.local [hbm:s3], $0xF7A  }
0x26: {  	[smem:$0x3F99] =	sst s1;
	(tag) =	ssettag s2;
	_ =	strace s9  }
0x27: {  	s1 =	sld [smem:$0x3FA9]  }
0x28: {  	s2 =	sld [smem:$0x3FAA]  }
0x29: {  	s4 =	sld [smem:$0x3FAC]  }
0x2a: {  	p0 =	seq.s32 s5, $0x0;
	s5 =	sld [smem:$0x3FAD]  }
0x2b: {  	s6 =	sld [smem:$0x3FAE]  }
0x2c: {  	s7 =	sld [smem:$0x3FAF]  }
0x2d: {  	s3 =	simm.s32 $0x108;
	s8 =	sld [smem:$0x3FB0]  }
0x2e: {  	s3 =	simm.s32 @!p0 $0x1082;
	s9 =	sld [smem:$0x3FB1]  }
0x2f: {  	lr =	sadd.s32 s0, s3;
	s0 =	sld [smem:$0x3FA8]  }
0x30: {  	s3 =	sld [smem:$0x3FAB]  }
0x31: {  	[smem:$0x3FB4] =	sst s10  }
0x32: {  	s10 =	sld [smem:$0x3FB2];
	_ =	sdelay $0x3  }
0x33: {  	p0 =	seq.s32 s10, $0x1;
	s10 =	sld [smem:$0x3FB4];
	_ =	sdelay $0x3  }
0x34: {  	[smem:$0x3FB4] =	sst s10  }
0x35: {  	s10 =	sld [smem:$0x3FB3];
	_ =	sdelay $0x3  }
0x36: {  	p1 =	seq.s32 s10, $0x1;
	s10 =	sld [smem:$0x3FB4];
	_ =	sdelay $0x3  }
0x37: {  	[smem:$0x3FB4] =	sst s10  }
0x38: {  	s10 =	sld [smem:$0x3FB5]  }
0x39: {  	_ = 	snop;
	(pc) =	sbr.ind lr, $3  }
0x3a: {  	_ = 	snop  }
0x3b: {  	_ = 	snop  }
0x3c: {  	p2 =	seq.s32 s10, $0x1;
	s10 =	sld [smem:$0x3FB4]  }
0x3d: {  	_ =	shalt  }
0x3e: {  	_ =	shalt  }
0x3f: {  	_ =	shalt  }
0x40: {  	_ =	shalt  }
0x41: {  	_ =	shalt  }
0x42: {  	_ =	shalt  }
0x43: {  	_ =	shalt  }
0x44: {  	_ =	shalt  }
0x45: {  	_ =	shalt  }
0x46: {  	_ =	shalt  }
0x47: {  	_ =	shalt  }
0x48: {  	_ =	shalt  }
0x49: {  	_ =	shalt  }
0x4a: {  	_ =	shalt  }
0x4b: {  	_ =	shalt  }
0x4c: {  	_ =	shalt  }
0x4d: {  	_ =	shalt  }
0x4e: {  	_ =	shalt  }
0x4f: {  	_ =	shalt  }
0x50: {  	_ =	shalt  }
0x51: {  	_ =	shalt  }
0x52: {  	_ =	shalt  }
0x53: {  	_ =	shalt  }
0x54: {  	_ =	shalt  }
0x55: {  	_ =	shalt  }
0x56: {  	_ =	shalt  }
0x57: {  	_ =	shalt  }
0x58: {  	_ =	shalt  }
0x59: {  	_ =	shalt  }
0x5a: {  	_ =	shalt  }
0x5b: {  	_ =	shalt  }
0x5c: {  	_ =	shalt  }
0x5d: {  	_ =	shalt  }
0x5e: {  	_ =	shalt  }
0x5f: {  	_ =	shalt  }
0x60: {  	_ =	shalt  }
0x61: {  	_ =	shalt  }
0x62: {  	_ =	shalt  }
0x63: {  	_ =	shalt  }
0x64: {  	_ =	shalt  }
0x65: {  	_ =	shalt  }
0x66: {  	_ =	shalt  }
0x67: {  	_ =	shalt  }
0x68: {  	_ =	shalt  }
0x69: {  	_ =	shalt  }
0x6a: {  	_ =	shalt  }
0x6b: {  	_ =	shalt  }
0x6c: {  	_ =	shalt  }
0x6d: {  	_ =	shalt  }
0x6e: {  	_ =	shalt  }
0x6f: {  	_ =	shalt  }
0x70: {  	_ =	shalt  }
0x71: {  	_ =	shalt  }
0x72: {  	_ =	shalt  }
0x73: {  	_ =	shalt  }
0x74: {  	_ =	shalt  }
0x75: {  	_ =	shalt  }
0x76: {  	_ =	shalt  }
0x77: {  	_ =	shalt  }
0x78: {  	_ =	shalt  }
0x79: {  	_ =	shalt  }
0x7a: {  	_ =	shalt  }
0x7b: {  	_ =	shalt  }
0x7c: {  	_ =	shalt  }
0x7d: {  	_ =	shalt  }
0x7e: {  	_ =	shalt  }
0x7f: {  	_ =	shalt  }
0x80: {  	_ =	shalt  }
0x81: {  	_ =	shalt  }
0x82: {  	_ =	shalt  }
0x83: {  	_ =	shalt  }
0x84: {  	_ =	shalt  }
0x85: {  	_ =	shalt  }
0x86: {  	_ =	shalt  }
0x87: {  	_ =	shalt  }
.Lfunc_end0:
.L_simem_size_0:
called_computation.2_lowered:
.L_overlay_start_0:
0x88: {  	s2 =	sld [smem:$0x3FD9]  }
0x89: {  	s3 =	sld [smem:$0x3FFE];
	_ =	sdelay $0x1  }
0x8a: {  	s1 =	srdreg.scid  }
0x8b: {  	s0 =	sand.u32 $0x1, s1  }
0x8c: {  	s17 =	sshll.u32 s0, $0xA;
	s2 =	sadd.s32 s3, s2  }
0x8d: {  	s2 =	sadd.s32 s2, s17  }
0x8e: {  	[smem:$0x3FC0] =	sst s2  }
0x8f: {  	_ = 	snop  }
0x90: {  	s2 =	sld [smem:$0x3FC8];
	(tm) =	ssettm $0x1  }
0x91: {  	s18 =	sld [smem:$0x3FFB];
	_ =	sdelay $0x3  }
0x92: {  	_ =	strace s18  }
0x93: {  	s3 =	sld [smem:$0x3FFC];
	_ =	sdelay $0x3  }
0x94: {  	_ =	strace s3  }
0x95: {  	s3 =	sld [smem:$0x3FFD];
	_ =	sdelay $0x3  }
0x96: {  	_ =	strace s3  }
0x97: {  	_ =	strace $0x8FFFFFFF  }
0x98: {  	s19 =	sld [smem:$0x3FDB];
	_ =	sdelay $0x1  }
0x99: {  	s4 =	simm.s32 $_scs_section_size  }
0x9a: {  	s5 =	simm.s32 $_size__tile_overlayer_lowered;
	s6 =	simm.s32 $_tile_overlayer_lowered  }
0x9b: {  	s22 =	simm.s32 $0x1BFF;
	s21 =	sshll.u32 s6, $0x1;
	s3 =	sadd.s32 s4, s19  }
0x9c: {  	s7 =	simm.s32 $0x0;
	s20 =	sshll.u32 s5, $0x1;
	s5 =	sadd.s32 s21, s3  }
0x9d: {  	[timem:s7], [sflag:s22] =	dma.local [hbm:s5], s20  }
0x9e: {  	_ =	swait.ge [sflag:s22], s20  }
0x9f: {  	s4 =	ssub.s32 $0x0, s20;
	[sflag:s22] =	ssyncset.done $0x0  }
0xa0: {  	[sflag:s22] =	ssyncadd.s32 s4;
	_ =	sdelay $0x1  }
0xa1: {  	s23 =	simm.s32 $0x1B8B  }
0xa2: {  	_ =	swait.ge [sflag:s23], $0x1  }
0xa3: {  	[sflag:s23] =	ssyncset.done $0x0  }
0xa4: {  	s25 =	simm.s32 $0x1B8E;
	s24 =	sld [smem:$0x3FFE];
	[sflag:s23] =	ssyncadd.s32 $0xFFFFFFFF  }
0xa5: {  	s26 =	simm.s32 $execute0_lowered;
	[smem:$0x3FD2] =	sst s25  }
0xa6: {  	s5 =	sshll.u32 s26, $0x1;
	_ =	strace $0x80000046;
	[dreg:$0x1] =	wrdreg $0xFFFFFFFF  }
0xa7: {  	s28 =	simm.s32 $_size_execute0_lowered;
	s3 =	sadd.s32 s3, s5;
	[dreg:$0x0] =	wrdreg $0x0  }
0xa8: {  	s5 =	sshll.u32 s28, $0x1;
	[dreg:$0x2] =	wrdreg s3  }
0xa9: {  	[dreg:$0x3] =	wrdreg s5  }
0xaa: {  	[dreg:$0x4] =	wrdreg $0xC0  }
0xab: {  	_ =	task [dreg:s7], $0x5FFFF  }
0xac: {  	[dreg:$0x1] =	wrdreg $0xFFFFFFFF  }
0xad: {  	[dreg:$0x0] =	wrdreg $0x60  }
0xae: {  	[dreg:$0x2] =	wrdreg s2  }
0xaf: {  	[dreg:$0x3] =	wrdreg s24  }
0xb0: {  	[dreg:$0x4] =	wrdreg $0xA  }
0xb1: {  	_ =	task.clear_ibuf [dreg:s7], $0x5FFFF;
	_ =	strace $0x90000046  }
0xb2: {  	s29 =	simm.s32 $0xA;
	_ =	strace $0x80000048  }
0xb3: {  	_ =	swait.ge [sflag:s29], $0x1  }
0xb4: {  	[sflag:s29] =	ssyncadd.s32 $0xFFFFFFFF  }
0xb5: {  	_ =	strace $0x90000048  }
0xb6: {  	_ =	sfence  }
0xb7: {  	s30 =	sld [smem:$0x0];
	_ =	sdelay $0x2  }
0xb8: {  	s31 =	sshll.u32 s1, $0xD;
	s1 =	sshrl.u32 s1, $0x2  }
0xb9: {  	s3 =	sand.u32 $0x4000, s31;
	s1 =	sadd.s32 s1, s30  }
0xba: {  	s0 =	sor.u32 s3, s0;
	s1 =	sshll.u32 s1, $0x11  }
0xbb: {  	s0 =	sor.u32 s1, s0  }
0xbc: {  	s0 =	sadd.s32 $0x8F2B, s0  }
0xbd: {  	[sflag:s0] =	ssyncadd.remote.s32 $0x1  }
0xbe: {  	_ =	sfence.sel $0xFFFF  }
0xbf: {  	[dreg:$0x0] =	wrdreg $0xFFFFFFFF;
	(pc) =	sbr.abs _section_cstart, $3  }
0xc0: {  	[dreg:$0x1] =	wrdreg $0xFFFFFFFF  }
0xc1: {  	_ =	task.clear_ibuf [dreg:s7], $0x2FFFF;
	_ =	strace $0x9FFFFFFF  }
0xc2: {  	(tm) =	ssettm $0x7FFFFFFF  }
0xc3: {  	_ =	shalt  }
tec
execute0_lowered:
.L_overlay_start_1:
0x0: {  	(tag) =	ssettag $0x1  }
0x1: {  	s1 =	srdreg.scid;
	s2 =	rddreg [dreg:$0x0]  }
0x2: {  	s0 =	stileid.u32;
	s3 =	rddreg [dreg:$0x1]  }
0x3: {  	s6 =	simm.s32 $0x1;
	s9 =	simm.s32 $0x1;
	s1 =	sshll.u32 s1, $0x6  }
0x4: {  	s10 =	simm.s32 $0x3;
	s4 =	sshll.u32 s0, $0x7;
	s5 =	sand.u32 $0x40, s1  }
0x5: {  	s13 =	simm.s32 $0x0;
	s12 =	simm.s32 $0x0;
	s4 =	sor.u32 s4, s5  }
0x6: {  	s1 =	rddreg [dreg:$0x2];
	_ =	strace $0x80000047;
	s8 =	ssub.s32 $0x1000, s4  }
.Ltmp0:
0x7: {  	s5 =	sadd.s32 $0x200, s3;
	s7 =	sand.u32 $0x7C0, s8;
	(pc) =	sbr.rel .LBB2_1-.Ltmp0, $4  }
0x8: {  	[sflag:s6] =	ssyncpa.u1 $0x0;
	s11 =	smov.u32 s4;
	p0 =	sne.s32 s7, $0x0  }
0x9: {  	s8 =	sshrl.u32 s8, $0xB;
	s7 =	simm.s32 $0x2;
	s9 =	simm.s32 @!p0 $0x0  }
0xa: {  	[sflag:s7] =	ssyncpa.u1 $0x0;
	p0 =	por $0x0, $0x0;
	s8 =	sadd.s32 s9, s8  }
0xb: {  	vm0 =	vmmov $0xffff;
	[sflag:s10] =	ssyncpa.u1 $0x0;
	s10 =	simm.s32 $0x0;
	s9 =	sadd.s32 $0x1, s8  }
.LBB2_4:
0xc: {  	v2 =	vnsel vm1, $0x0, v2  }
0xd: {  	vm1 =	vgt.s32 v0, $0x0;
	v2 =	vmin.u32 v2, $0x3FFF  }
0xe: {  	v0 =	vnsel vm1, $0x0, v0  }
0xf: {  	v0 =	vmin.u32 v0, $0x3FFF  }
0x10: {  	[tilespmem:s15], [sflag:$0x1] =	stream.indirect_vreg.gather [hbm4b:s2+s10], $0x1, v1, vm0, $0x4038;
	[tilespmem:$0x100] =	vst v63  }
0x11: {  	(ifvalue) =	ssetifvalue $0x7FFFFFFF  }
0x12: {  	[tilespmem:s16], [sflag:$0x1] =	stream.indirect_vreg.gather [hbm4b:s2+s10], $0x1, v2, vm0, $0x4038;
	[tilespmem:$0x100] =	vst v63  }
0x13: {  	s29 =	sadd.s32 $0x10, s16;
	(ifvalue) =	ssetifvalue $0x7FFFFFFF  }
0x14: {  	[tilespmem:s29], [sflag:$0x1] =	stream.indirect_vreg.gather [hbm4b:s2+s10], $0x1, v0, vm0, $0x4038;
	[tilespmem:$0x100] =	vst v63  }
0x15: {  	_ =	swait.ge [sflag:s6], $0x40  }
0x16: {  	s30 =	sshrl.u32 s13, $0x3;
	[sflag:s6] =	ssyncset.done $0x0  }
0x17: {  	s31 =	sand.u32 $0x7, s13;
	s15 =	sadd.s32 s5, s30;
	[sflag:s6] =	ssyncadd.s32 $0xFFFFFFC0  }
0x18: {  	[hbm4b:s15+s31] =	stream.linear.scatter [tilespmem:s14], [sflag:$0x3], $0x40, $0x38;
	[tilespmem:$0x100] =	vst v63  }
.LBB2_5:
0x19: {  	s15 =	sadd.s32 $0x800, s11  }
0x1a: {  	p2 =	sgt.s32 s15, $0xFFF  }
0x1b: {  	s15 =	smov.u32 @p2 s4;
	p2 =	sne.s32 s12, s9  }
.Ltmp1:
0x1c: {  	p1 =	slt.u32 s12, $0x2;
	(pc) =	sbr.rel @!p2 .LBB2_6-.Ltmp1, $4  }
0x1d: {  	s14 =	simm.s32 @!p1 $0x3  }
0x1e: {  	s16 =	sadd.s32 $0x1, s12;
	_ =	swait.ge @!p1 [sflag:s14], $0x40  }
0x1f: {  	s13 =	smov.u32 s11;
	p0 =	por !p0, !p0;
	[sflag:s14] =	ssyncset.done @!p1 $0x0  }
0x20: {  	s12 =	smov.u32 s16;
	s11 =	smov.u32 s15;
	[sflag:s14] =	ssyncadd.s32 @!p1 $0xFFFFFFC0  }
.LBB2_1:
0x21: {  	p1 =	sge.u32 s12, s8  }
0x22: {  	s14 =	sxor.u32 @!p1 $0xFFFFFFFF, s12  }
0x23: {  	s31 =	sadd.s32 $0xFFFFFFFF, s12;
	s15 =	sshrl.u32 @!p1 s11, $0x3;
	s14 =	sshll.u32 @!p1 s14, $0x6  }
0x24: {  	s16 =	sand.u32 @!p1 $0x7, s11;
	s15 =	sadd.s32 @!p1 s3, s15;
	s14 =	sand.u32 @!p1 $0x40, s14  }
0x25: {  	[tilespmem:s14], [sflag:$0x2] =	stream.linear.gather @!p1 [hbm4b:s15+s16], $0x40, $0x38;
	[tilespmem:$0x100] =	vst v63  }
0x26: {  	p1 =	sge.u32 s31, s8  }
.Ltmp2:
0x27: {  	_ = 	snop;
	(pc) =	sbr.rel @p1 .LBB2_5-.Ltmp2, $1  }
0x28: {  	_ =	sdelay $0x3  }
0x29: {  	s14 =	simm.s32 $0x1  }
0x2a: {  	_ =	swait.ge [sflag:s7], $0x40;
	s14 =	simm.s32 @!p0 $0x0  }
0x2b: {  	[sflag:s7] =	ssyncset.done $0x0;
	s14 =	sshll.u32 s14, $0x6  }
0x2c: {  	[sflag:s7] =	ssyncadd.s32 $0xFFFFFFC0;
	(ifvalue) =	ssetifvalue $0x7FFFFFFF;
	v0 =	vld.msk [tilespmem:s14+$0x0 ss:$0x1], $0xffff;
	_ =	sdelay $0x4  }
0x2d: {  	s15 =	sadd.s32 $0x10, s14;
	vm1 =	vgt.s32 v0, $0x0  }
0x2e: {  	v2 =	vld.msk [tilespmem:s15+$0x0 ss:$0x1], $0xffff;
	v1 =	vnsel vm1, $0x0, v0  }
0x2f: {  	v1 =	vmin.u32 v1, $0x3FFF;
	_ =	sdelay $0x1  }
0x30: {  	s16 =	sshll.u32 s12, $0x6;
	s18 =	simm.s32 $0x20  }
0x31: {  	s16 =	sand.u32 $0x40, s16;
	s17 =	sadd.s32 $0x10, s15;
	s15 =	sor.u32 $0x80, s14  }
0x32: {  	s14 =	sor.u32 $0x80, s16;
	s16 =	sadd.s32 $0x10, s15;
	v0 =	vld.msk [tilespmem:s17+$0x0 ss:$0x1], $0xffff;
	vm1 =	vgt.s32 v2, $0x0;
	(ifvalue) =	ssetifvalue $0x7FFFFFFF  }
.LBB2_3:
0x33: {  	[tilespmem:s15], [sflag:$0x1] =	stream.indirect_vreg.gather [hbm4b:s2+s10], $0x1, v1, vm0, $0x4038;
	[tilespmem:$0x100] =	vst v63  }
0x34: {  	s18 =	sadd.s32 $0x10, s18  }
0x35: {  	v2 =	vnsel vm1, $0x0, v2;
	p1 =	slt.u32 s18, $0x30  }
.Ltmp3:
0x36: {  	s15 =	smov.u32 s16;
	v1 =	vmin.u32 v2, $0x3FFF;
	(pc) =	sbr.rel @p1 .LBB2_3-.Ltmp3, $3  }
0x37: {  	_ =	sdelay $0x1  }
0x38: {  	s17 =	sadd.s32 $0x10, s17  }
0x39: {  	vm1 =	vgt.s32 v0, $0x0;
	s16 =	sadd.s32 $0x10, s16;
	v2 =	vmov v0;
	(ifvalue) =	ssetifvalue $0x7FFFFFFF;
	v0 =	vld.msk [tilespmem:s17+$0x0 ss:$0x1], $0xffff  }
.Ltmp4:
0x3a: {  	_ = 	snop;
	(pc) =	sbr.rel .LBB2_4-.Ltmp4, $1  }
0x3b: {  	_ =	sdelay $0x3  }
.LBB2_6:
0x3c: {  	_ =	sfence.sel $0x180000  }
0x3d: {  	s2 =	simm.s32 $0x2;
	[bflag:$0x0] =	sbarrier.arrive $0xFFFF  }
0x3e: {  	s30 =	simm.s32 $0x3;
	[sflag:s2] =	ssyncpa.u1 $0x1  }
0x3f: {  	s31 =	simm.s32 $0x1;
	[sflag:s30] =	ssyncpa.u1 $0x1  }
0x40: {  	[sflag:s31] =	ssyncpa.u1 $0x1  }
0x41: {  	p0 =	sne.s32 s0, $0x0;
	_ =	strace $0x90000047  }
0x42: {  	s0 =	sadd.s32 @!p0 $0x100000, s1;
	[bflag:$0x2] =	sbarrier.arrive $0xFFFF  }
0x43: {  	[sflag:s0] =	ssyncadd.tile.s32 @!p0 $0x1;
	_ =	shalt  }
.Lfunc_end2:
_tile_overlayer_lowered:
.L_overlay_start_2:
0x44: {  	(tag) =	ssettag $0x2  }
0x45: {  	s0 =	rddreg [dreg:$0x0];
	s2 =	stileid.u32  }
0x46: {  	s1 =	rddreg [dreg:$0x1];
	p0 =	sne.s32 s2, $0x0  }
0x47: {  	s3 =	rddreg [dreg:$0x2];
	[bflag:$0x3] =	sbarrier.arrive $0xFFFF;
	s2 =	simm.s32 @!p0 $0x1C01  }
0x48: {  	[timem:s3], [sflag:s2] =	dma.local @!p0 [hbm:s0], s1  }
0x49: {  	s0 =	simm.s32 @!p0 $0x1  }
0x4a: {  	_ =	swait.ge @!p0 [sflag:s0], s1  }
0x4b: {  	s1 =	ssub.s32 @!p0 $0x0, s1;
	[sflag:s0] =	ssyncset.done @!p0 $0x0  }
0x4c: {  	[sflag:s0] =	ssyncadd.s32 @!p0 s1  }
0x4d: {  	[bflag:$0x3] =	sbarrier.arrive $0xFFFF  }
0x4e: {  	_ =	shalt  }

// kernel: gather_offload_async_start
scs
__scs_entry_jumppad:
0x0: {  	(pc) =	sbr.rel $0x88, $3  }
0x1: {  	(tag) =	ssettag $0x0;
	lr =	simm.s32 $0x1  }
0x2: {  	[smem:$0x3F99] =	sst lr;
	_ =	strace $0xD0000000  }
0x3: {  	_ = 	snop  }
0x4: {  	_ = 	snop  }
0x5: {  	_ = 	snop  }
0x6: {  	_ = 	snop  }
0x7: {  	_ = 	snop  }
__scs_overlays_trampoline_lowered:
0x8: {  	[smem:$0x3FA8] =	sst s0  }
0x9: {  	[smem:$0x3FA9] =	sst s1  }
0xa: {  	[smem:$0x3FAA] =	sst s2  }
0xb: {  	[smem:$0x3FAB] =	sst s3  }
0xc: {  	[smem:$0x3FAC] =	sst s4  }
0xd: {  	[smem:$0x3FAD] =	sst s5  }
0xe: {  	[smem:$0x3FAE] =	sst s6  }
0xf: {  	[smem:$0x3FAF] =	sst s7  }
0x10: {  	[smem:$0x3FB0] =	sst s8  }
0x11: {  	[smem:$0x3FB1] =	sst s9;
	s0 =	simm.s32 @!p0 $0x0  }
0x12: {  	s1 =	sld [smem:$0x3F97];
	s0 =	simm.s32 @p0 $0x1  }
0x13: {  	[smem:$0x3FB2] =	sst s0;
	s0 =	simm.s32 @!p1 $0x0  }
0x14: {  	s2 =	sld [smem:$0x3F96];
	s0 =	simm.s32 @p1 $0x1  }
0x15: {  	[smem:$0x3FB3] =	sst s0;
	s0 =	simm.s32 @!p2 $0x0  }
0x16: {  	s3 =	sld [smem:$0x3FDB];
	s0 =	simm.s32 @p2 $0x1  }
0x17: {  	s4 =	simm.s32 $0x1BF5;
	[smem:$0x3FB5] =	sst s0  }
0x18: {  	s0 =	sld [smem:$0x3F98];
	_ =	swait.ge [sflag:s4], $0x0  }
0x19: {  	s7 =	sld [smem:$0x3F99]  }
0x1a: {  	s8 =	sadd.s32 $0xFFFFE003, lr  }
0x1b: {  	s9 =	sadd.s32 $0xFFFFFEF7, lr;
	s5 =	simm.s32 $0xFFFFFFFF;
	p2 =	slt.u32 s8, $0xFFFFF086  }
0x1c: {  	p1 =	slt.u32 s9, $0xF7A;
	s5 =	simm.s32 @!p2 $0x0  }
0x1d: {  	s5 =	simm.s32 @p1 $0x1;
	p0 =	seq.s32 s7, s2  }
0x1e: {  	s7 =	smul.u32 @!p0 $0xF7A, s2;
	p2 =	seq.s32 @!p0 s5, $0x0  }
0x1f: {  	s9 =	smul.u32 $0xF7A, s1;
	s8 =	simm.s32 @!p0 $0x1BF5;
	p2 =	por !p2, p0  }
0x20: {  	[sflag:s8] =	ssyncset.s32 @!p0 $0xFFFFF086;
	s6 =	sadd.s32 @!p0 s3, s7;
	s7 =	simm.s32 @!p0 $0x108  }
0x21: {  	s3 =	sadd.s32 s3, s9;
	s6 =	sadd.s32 @!p0 $0x88, s6;
	s7 =	simm.s32 @p2 $0x1082  }
0x22: {  	[simem:s7], [sflag:s8] =	dma.local @!p0 [hbm:s6], $0xF7A  }
0x23: {  	s9 =	sor.u32 $0xD0000000, s2;
	s6 =	simm.s32 $0x108;
	_ =	swait.ge @!p0 [sflag:s8], $0x0  }
0x24: {  	s3 =	sadd.s32 $0x88, s3;
	s6 =	simm.s32 @!p1 $0x1082;
	[sflag:s4] =	ssyncset.s32 $0xFFFFF086  }
0x25: {  	[simem:s6], [sflag:s4] =	dma.local [hbm:s3], $0xF7A  }
0x26: {  	[smem:$0x3F99] =	sst s1;
	(tag) =	ssettag s2;
	_ =	strace s9  }
0x27: {  	s1 =	sld [smem:$0x3FA9]  }
0x28: {  	s2 =	sld [smem:$0x3FAA]  }
0x29: {  	s4 =	sld [smem:$0x3FAC]  }
0x2a: {  	p0 =	seq.s32 s5, $0x0;
	s5 =	sld [smem:$0x3FAD]  }
0x2b: {  	s6 =	sld [smem:$0x3FAE]  }
0x2c: {  	s7 =	sld [smem:$0x3FAF]  }
0x2d: {  	s3 =	simm.s32 $0x108;
	s8 =	sld [smem:$0x3FB0]  }
0x2e: {  	s3 =	simm.s32 @!p0 $0x1082;
	s9 =	sld [smem:$0x3FB1]  }
0x2f: {  	lr =	sadd.s32 s0, s3;
	s0 =	sld [smem:$0x3FA8]  }
0x30: {  	s3 =	sld [smem:$0x3FAB]  }
0x31: {  	[smem:$0x3FB4] =	sst s10  }
0x32: {  	s10 =	sld [smem:$0x3FB2];
	_ =	sdelay $0x3  }
0x33: {  	p0 =	seq.s32 s10, $0x1;
	s10 =	sld [smem:$0x3FB4];
	_ =	sdelay $0x3  }
0x34: {  	[smem:$0x3FB4] =	sst s10  }
0x35: {  	s10 =	sld [smem:$0x3FB3];
	_ =	sdelay $0x3  }
0x36: {  	p1 =	seq.s32 s10, $0x1;
	s10 =	sld [smem:$0x3FB4];
	_ =	sdelay $0x3  }
0x37: {  	[smem:$0x3FB4] =	sst s10  }
0x38: {  	s10 =	sld [smem:$0x3FB5]  }
0x39: {  	_ = 	snop;
	(pc) =	sbr.ind lr, $3  }
0x3a: {  	_ = 	snop  }
0x3b: {  	_ = 	snop  }
0x3c: {  	p2 =	seq.s32 s10, $0x1;
	s10 =	sld [smem:$0x3FB4]  }
0x3d: {  	_ =	shalt  }
0x3e: {  	_ =	shalt  }
0x3f: {  	_ =	shalt  }
0x40: {  	_ =	shalt  }
0x41: {  	_ =	shalt  }
0x42: {  	_ =	shalt  }
0x43: {  	_ =	shalt  }
0x44: {  	_ =	shalt  }
0x45: {  	_ =	shalt  }
0x46: {  	_ =	shalt  }
0x47: {  	_ =	shalt  }
0x48: {  	_ =	shalt  }
0x49: {  	_ =	shalt  }
0x4a: {  	_ =	shalt  }
0x4b: {  	_ =	shalt  }
0x4c: {  	_ =	shalt  }
0x4d: {  	_ =	shalt  }
0x4e: {  	_ =	shalt  }
0x4f: {  	_ =	shalt  }
0x50: {  	_ =	shalt  }
0x51: {  	_ =	shalt  }
0x52: {  	_ =	shalt  }
0x53: {  	_ =	shalt  }
0x54: {  	_ =	shalt  }
0x55: {  	_ =	shalt  }
0x56: {  	_ =	shalt  }
0x57: {  	_ =	shalt  }
0x58: {  	_ =	shalt  }
0x59: {  	_ =	shalt  }
0x5a: {  	_ =	shalt  }
0x5b: {  	_ =	shalt  }
0x5c: {  	_ =	shalt  }
0x5d: {  	_ =	shalt  }
0x5e: {  	_ =	shalt  }
0x5f: {  	_ =	shalt  }
0x60: {  	_ =	shalt  }
0x61: {  	_ =	shalt  }
0x62: {  	_ =	shalt  }
0x63: {  	_ =	shalt  }
0x64: {  	_ =	shalt  }
0x65: {  	_ =	shalt  }
0x66: {  	_ =	shalt  }
0x67: {  	_ =	shalt  }
0x68: {  	_ =	shalt  }
0x69: {  	_ =	shalt  }
0x6a: {  	_ =	shalt  }
0x6b: {  	_ =	shalt  }
0x6c: {  	_ =	shalt  }
0x6d: {  	_ =	shalt  }
0x6e: {  	_ =	shalt  }
0x6f: {  	_ =	shalt  }
0x70: {  	_ =	shalt  }
0x71: {  	_ =	shalt  }
0x72: {  	_ =	shalt  }
0x73: {  	_ =	shalt  }
0x74: {  	_ =	shalt  }
0x75: {  	_ =	shalt  }
0x76: {  	_ =	shalt  }
0x77: {  	_ =	shalt  }
0x78: {  	_ =	shalt  }
0x79: {  	_ =	shalt  }
0x7a: {  	_ =	shalt  }
0x7b: {  	_ =	shalt  }
0x7c: {  	_ =	shalt  }
0x7d: {  	_ =	shalt  }
0x7e: {  	_ =	shalt  }
0x7f: {  	_ =	shalt  }
0x80: {  	_ =	shalt  }
0x81: {  	_ =	shalt  }
0x82: {  	_ =	shalt  }
0x83: {  	_ =	shalt  }
0x84: {  	_ =	shalt  }
0x85: {  	_ =	shalt  }
0x86: {  	_ =	shalt  }
0x87: {  	_ =	shalt  }
.Lfunc_end0:
.L_simem_size_0:
called_computation.1_lowered:
.L_overlay_start_0:
0x88: {  	s2 =	sld [smem:$0x3FD9]  }
0x89: {  	s3 =	sld [smem:$0x3FFE];
	_ =	sdelay $0x1  }
0x8a: {  	s1 =	srdreg.scid  }
0x8b: {  	s0 =	sand.u32 $0x1, s1  }
0x8c: {  	s17 =	sshll.u32 s0, $0xA;
	s2 =	sadd.s32 s3, s2  }
0x8d: {  	s2 =	sadd.s32 s2, s17  }
0x8e: {  	[smem:$0x3FC0] =	sst s2  }
0x8f: {  	_ = 	snop  }
0x90: {  	(tm) =	ssettm $0x1  }
0x91: {  	s18 =	sld [smem:$0x3FFB];
	_ =	sdelay $0x3  }
0x92: {  	_ =	strace s18  }
0x93: {  	s2 =	sld [smem:$0x3FFC];
	_ =	sdelay $0x3  }
0x94: {  	_ =	strace s2  }
0x95: {  	s2 =	sld [smem:$0x3FFD];
	_ =	sdelay $0x3  }
0x96: {  	_ =	strace s2  }
0x97: {  	_ =	strace $0x8FFFFFFF  }
0x98: {  	s19 =	sld [smem:$0x3FDB];
	_ =	sdelay $0x1  }
0x99: {  	s20 =	simm.s32 $_scs_section_size  }
0x9a: {  	s4 =	simm.s32 $_size__tile_overlayer_lowered;
	s5 =	simm.s32 $_tile_overlayer_lowered  }
0x9b: {  	s6 =	simm.s32 $0x1BFF;
	s21 =	sshll.u32 s5, $0x1;
	s3 =	sadd.s32 s20, s19  }
0x9c: {  	s22 =	simm.s32 $0x0;
	s4 =	sshll.u32 s4, $0x1;
	s5 =	sadd.s32 s21, s3  }
0x9d: {  	[timem:s22], [sflag:s6] =	dma.local [hbm:s5], s4  }
0x9e: {  	_ =	swait.ge [sflag:s6], s4  }
0x9f: {  	s4 =	ssub.s32 $0x0, s4;
	[sflag:s6] =	ssyncset.done $0x0  }
0xa0: {  	[sflag:s6] =	ssyncadd.s32 s4;
	_ =	sdelay $0x1  }
0xa1: {  	s23 =	simm.s32 $0x1B8B  }
0xa2: {  	_ =	swait.ge [sflag:s23], $0x1  }
0xa3: {  	[sflag:s23] =	ssyncset.done $0x0  }
0xa4: {  	[sflag:s23] =	ssyncadd.s32 $0xFFFFFFFF  }
0xa5: {  	s4 =	sld [smem:$0x0]  }
0xa6: {  	s5 =	sand.u32 $0xFFFFFFFE, s1  }
0xa7: {  	p0 =	sne.s32 s1, s5  }
0xa8: {  	s5 =	sshll.u32 @p0 s5, $0xE  }
0xa9: {  	s5 =	sadd.s32 @p0 $0x11B8D, s5;
	s6 =	sshll.u32 @p0 s4, $0x11  }
0xaa: {  	s5 =	sor.u32 @p0 s6, s5  }
0xab: {  	[sflag:s5] =	ssyncadd.remote.s32 @p0 $0x1;
	_ =	sdelay $0x1  }
0xac: {  	s5 =	simm.s32 @p0 $0x1B8D  }
0xad: {  	_ =	swait.eq @p0 [sflag:s5], $0x1  }
0xae: {  	[sflag:s5] =	ssyncadd.s32 @p0 $0xFFFFFFFF  }
0xaf: {  	s6 =	sshll.u32 @!p0 s1, $0xE  }
0xb0: {  	s6 =	sor.u32 @!p0 $0x4000, s6;
	s5 =	simm.s32 @!p0 $0x1B8D  }
0xb1: {  	s4 =	sshll.u32 @!p0 s4, $0x11;
	s6 =	sadd.s32 @!p0 $0x11B8D, s6;
	_ =	swait.eq @!p0 [sflag:s5], $0x1  }
0xb2: {  	s4 =	sor.u32 @!p0 s4, s6;
	[sflag:s5] =	ssyncadd.s32 @!p0 $0xFFFFFFFF  }
0xb3: {  	s25 =	simm.s32 $0x1B8E;
	s24 =	sld [smem:$0x3FFE];
	[sflag:s4] =	ssyncadd.remote.s32 @!p0 $0x1  }
0xb4: {  	s26 =	simm.s32 $execute0_lowered;
	[smem:$0x3FD2] =	sst s25  }
0xb5: {  	s5 =	sshll.u32 s26, $0x1;
	_ =	strace $0x80000049;
	[dreg:$0x1] =	wrdreg $0xFFFFFFFF  }
0xb6: {  	s28 =	simm.s32 $_size_execute0_lowered;
	s3 =	sadd.s32 s3, s5;
	[dreg:$0x0] =	wrdreg $0x0  }
0xb7: {  	s5 =	sshll.u32 s28, $0x1;
	[dreg:$0x2] =	wrdreg s3  }
0xb8: {  	[dreg:$0x3] =	wrdreg s5  }
0xb9: {  	[dreg:$0x4] =	wrdreg $0xC0  }
0xba: {  	_ =	task [dreg:s22], $0x5FFFF  }
0xbb: {  	[dreg:$0x1] =	wrdreg $0xFFFFFFFF  }
0xbc: {  	[dreg:$0x0] =	wrdreg $0x60  }
0xbd: {  	[dreg:$0x2] =	wrdreg s24  }
0xbe: {  	[dreg:$0x3] =	wrdreg $0x9  }
0xbf: {  	_ =	task.clear_ibuf [dreg:s22], $0x4FFFF;
	_ =	strace $0x90000049  }
0xc0: {  	s29 =	simm.s32 $0x9;
	_ =	strace $0x8000004B  }
0xc1: {  	_ =	swait.ge [sflag:s29], $0x1  }
0xc2: {  	[sflag:s29] =	ssyncadd.s32 $0xFFFFFFFF  }
0xc3: {  	_ =	strace $0x9000004B  }
0xc4: {  	_ =	sfence  }
0xc5: {  	s30 =	sld [smem:$0x0];
	_ =	sdelay $0x2  }
0xc6: {  	s31 =	sshll.u32 s1, $0xD;
	s1 =	sshrl.u32 s1, $0x2  }
0xc7: {  	s4 =	sand.u32 $0x4000, s31;
	s1 =	sadd.s32 s1, s30  }
0xc8: {  	s0 =	sor.u32 s4, s0;
	s1 =	sshll.u32 s1, $0x11  }
0xc9: {  	s0 =	sor.u32 s1, s0  }
0xca: {  	s0 =	sadd.s32 $0x8F2B, s0  }
0xcb: {  	[sflag:s0] =	ssyncadd.remote.s32 $0x1  }
0xcc: {  	_ =	sfence.sel $0xFFFF  }
0xcd: {  	[dreg:$0x0] =	wrdreg $0xFFFFFFFF;
	(pc) =	sbr.abs _section_cstart, $3  }
0xce: {  	[dreg:$0x1] =	wrdreg $0xFFFFFFFF  }
0xcf: {  	_ =	task.clear_ibuf [dreg:s22], $0x2FFFF;
	_ =	strace $0x9FFFFFFF  }
0xd0: {  	(tm) =	ssettm $0x7FFFFFFF  }
0xd1: {  	_ =	shalt  }
tec
execute0_lowered:
.L_overlay_start_1:
0x0: {  	(tag) =	ssettag $0x1  }
0x1: {  	s2 =	rddreg [dreg:$0x0]  }
0x2: {  	s0 =	rddreg [dreg:$0x1]  }
0x3: {  	s1 =	srdreg.scid;
	_ =	strace $0x8000004A;
	s4 =	simm.s32 $0x1  }
0x4: {  	s9 =	simm.s32 $0x3;
	s12 =	simm.s32 $0x0;
	s5 =	sshll.u32 s1, $0x4  }
.Ltmp0:
0x5: {  	s1 =	stileid.u32;
	s5 =	sand.u32 $0x10, s5;
	(pc) =	sbr.rel .LBB2_1-.Ltmp0, $4  }
0x6: {  	s10 =	simm.s32 $0x0;
	s3 =	sadd.s32 $0x400, s2;
	s6 =	sor.u32 s1, s5  }
0x7: {  	[sflag:s4] =	ssyncpa.u1 $0x0;
	s5 =	simm.s32 $0x2;
	s6 =	sshll.u32 s6, $0x7  }
0x8: {  	s7 =	sadd.s32 $0x40400, s2;
	[sflag:s5] =	ssyncpa.u1 $0x0;
	s8 =	sadd.s32 $0x80, s6  }
0x9: {  	vm0 =	vmmov $0xff;
	vm1 =	vcmask $0x3F20;
	[sflag:s9] =	ssyncpa.u1 $0x0;
	s9 =	simm.s32 $0x80;
	s11 =	smov.u32 s6  }
.LBB2_9:
0xa: {  	p0 =	seq.s32 s10, $0x2  }
.Ltmp1:
0xb: {  	_ = 	snop;
	(pc) =	sbr.rel @p0 .LBB2_11-.Ltmp1, $1  }
0xc: {  	_ =	sdelay $0x3  }
.LBB2_10:
0xd: {  	s12 =	sadd.s32 $0x80, s11  }
0xe: {  	s13 =	smov.u32 s6;
	p0 =	slt.s32 s12, s8  }
0xf: {  	s13 =	smov.u32 @p0 s12  }
0x10: {  	s10 =	sadd.s32 $0x1, s10;
	s12 =	smov.u32 s11;
	s11 =	smov.u32 s13  }
.LBB2_1:
0x11: {  	p0 =	sne.s32 s10, $0x0  }
.Ltmp2:
0x12: {  	_ = 	snop;
	(pc) =	sbr.rel @!p0 .LBB2_2-.Ltmp2, $1  }
0x13: {  	_ =	sdelay $0x3  }
0x14: {  	s13 =	sand.u32 $0x1, s10  }
0x15: {  	p0 =	seq.s32 s13, $0x0  }
.Ltmp3:
0x16: {  	_ = 	snop;
	(pc) =	sbr.rel @p0 .LBB2_9-.Ltmp3, $1  }
0x17: {  	_ =	sdelay $0x3  }
0x18: {  	_ =	swait.ge [sflag:s5], $0x80  }
0x19: {  	[sflag:s5] =	ssyncset.done $0x0  }
0x1a: {  	s13 =	simm.s32 $0x0;
	[sflag:s5] =	ssyncadd.s32 $0xFFFFFF80  }
0x1b: {  	v0 =	vld.msk [tilespmem:s13+$0x80 ss:$0x1], $0xffff;
	_ =	sdelay $0x4  }
0x1c: {  	vm2 =	vgt.s32 v0, $0x0  }
0x1d: {  	v0 =	vnsel vm2, $0x0, v0  }
0x1e: {  	v0 =	vmin.u32 v0, $0x3FFF  }
0x1f: {  	v0 =	vshll.u32 v0, $0x4;
	_ =	sdelay $0x3  }
0x20: {  	s13 =	simm.s32 $0x4100  }
0x21: {  	[tilespmem:s13], [sflag:$0x1] =	stream.indirect_vreg.gather [hbm:s3], $0x80, v0, vm0, $0x38;
	[tilespmem:$0x8100] =	vst v63  }
0x22: {  	s14 =	simm.s32 $0x4500;
	s31 =	simm.s32 $0x10  }
0x23: {  	[tilespmem:s14], [sflag:$0x1] =	stream.indirect_vreg.gather [hbm:s3], $0x80, v0, vm1, $0x38;
	[tilespmem:$0x8100] =	vst v63  }
0x24: {  	s14 =	simm.s32 $0x80;
	v0 =	vld.msk [tilespmem:s31+$0x80 ss:$0x1], $0xffff  }
.LBB2_5:
0x25: {  	p0 =	sne.s32 s14, $0x1C0;
	_ =	sdelay $0x4  }
0x26: {  	vm2 =	vgt.s32 v0, $0x0  }
0x27: {  	v0 =	vnsel vm2, $0x0, v0  }
0x28: {  	v0 =	vmin.u32 v0, $0x3FFF  }
0x29: {  	v0 =	vshll.u32 v0, $0x4;
	_ =	sdelay $0x3  }
.Ltmp4:
0x2a: {  	s13 =	sadd.s32 $0x800, s13;
	(pc) =	sbr.rel @p0 .LBB2_5-.Ltmp4, $4  }
0x2b: {  	[tilespmem:s13], [sflag:$0x1] =	stream.indirect_vreg.gather [hbm:s3], $0x80, v0, vm0, $0x38;
	[tilespmem:$0x8100] =	vst v63  }
0x2c: {  	s15 =	sshra.s32 s14, $0x2;
	s16 =	sadd.s32 $0x400, s13  }
0x2d: {  	[tilespmem:s16], [sflag:$0x1] =	stream.indirect_vreg.gather [hbm:s3], $0x80, v0, vm1, $0x38;
	[tilespmem:$0x8100] =	vst v63  }
0x2e: {  	s14 =	sadd.s32 $0x40, s14;
	v0 =	vld.msk [tilespmem:s15+$0x80 ss:$0x1], $0xffff  }
0x2f: {  	_ =	sdelay $0x3  }
0x30: {  	vm2 =	vgt.s32 v0, $0x0  }
0x31: {  	v0 =	vnsel vm2, $0x0, v0  }
0x32: {  	v0 =	vmin.u32 v0, $0x3FFF  }
0x33: {  	v0 =	vshll.u32 v0, $0x4;
	_ =	sdelay $0x3  }
0x34: {  	s13 =	sadd.s32 $0x800, s13  }
0x35: {  	[tilespmem:s13], [sflag:$0x1] =	stream.indirect_vreg.gather [hbm:s3], $0x80, v0, vm0, $0x38;
	[tilespmem:$0x8100] =	vst v63  }
0x36: {  	s13 =	sadd.s32 $0x400, s13  }
0x37: {  	[tilespmem:s13], [sflag:$0x1] =	stream.indirect_vreg.gather [hbm:s3], $0x80, v0, vm1, $0x38;
	[tilespmem:$0x8100] =	vst v63  }
0x38: {  	s12 =	sshll.u32 s12, $0x4;
	s14 =	simm.s32 $0x80;
	_ =	swait.ge [sflag:s4], $0x4000  }
0x39: {  	s15 =	simm.s32 $0x4500;
	s12 =	sadd.s32 s12, s7;
	[sflag:s4] =	ssyncset.done $0x0  }
0x3a: {  	s16 =	sadd.s32 $0x0, s12;
	s13 =	simm.s32 $0x4100;
	[sflag:s4] =	ssyncadd.s32 $0xFFFFC000  }
.LBB2_7:
0x3b: {  	[hbm:s16] =	stream.linear.scatter [tilespmem:s13], [sflag:$0x3], $0x400, $0x38;
	[tilespmem:$0x8100] =	vst v63  }
0x3c: {  	s16 =	smov.u32 s14;
	s13 =	smov.u32 s15;
	p0 =	sne.s32 s14, $0x780  }
.Ltmp5:
0x3d: {  	s14 =	sadd.s32 $0x80, s14;
	(pc) =	sbr.rel @p0 .LBB2_7-.Ltmp5, $2  }
0x3e: {  	_ =	sdelay $0x2  }
0x3f: {  	s15 =	sadd.s32 $0x400, s15;
	s16 =	sadd.s32 s16, s12  }
.Ltmp6:
0x40: {  	(pc) =	sbr.rel .LBB2_9-.Ltmp6, $2  }
0x41: {  	_ =	sdelay $0x2  }
0x42: {  	[hbm:s16] =	stream.linear.scatter [tilespmem:s13], [sflag:$0x3], $0x400, $0x38;
	[tilespmem:$0x8100] =	vst v63  }
.LBB2_2:
.Ltmp7:
0x43: {  	(pc) =	sbr.rel .LBB2_10-.Ltmp7, $4  }
0x44: {  	_ = 	snop  }
0x45: {  	s12 =	sshrl.u32 s11, $0x3  }
0x46: {  	s13 =	sand.u32 $0x7, s11;
	s12 =	sadd.s32 s2, s12  }
0x47: {  	[tilespmem:s9], [sflag:$0x2] =	stream.linear.gather [hbm4b:s12+s13], $0x80, $0x38;
	[tilespmem:$0x8100] =	vst v63  }
.LBB2_11:
0x48: {  	s2 =	simm.s32 $0x3  }
0x49: {  	_ =	swait.ge [sflag:s2], $0x4000  }
0x4a: {  	[sflag:s2] =	ssyncset.done $0x0  }
0x4b: {  	[sflag:s2] =	ssyncadd.s32 $0xFFFFC000  }
0x4c: {  	_ =	sfence.sel $0x180000  }
0x4d: {  	s3 =	simm.s32 $0x2;
	[bflag:$0x0] =	sbarrier.arrive $0xFFFF  }
0x4e: {  	[sflag:s3] =	ssyncpa.u1 $0x1  }
0x4f: {  	s31 =	simm.s32 $0x1;
	[sflag:s2] =	ssyncpa.u1 $0x1  }
0x50: {  	[sflag:s31] =	ssyncpa.u1 $0x1  }
0x51: {  	p0 =	sne.s32 s1, $0x0;
	_ =	strace $0x9000004A  }
0x52: {  	s0 =	sadd.s32 @!p0 $0x100000, s0;
	[bflag:$0x2] =	sbarrier.arrive $0xFFFF  }
0x53: {  	[sflag:s0] =	ssyncadd.tile.s32 @!p0 $0x1;
	_ =	shalt  }
.Lfunc_end2:
_tile_overlayer_lowered:
.L_overlay_start_2:
0x54: {  	(tag) =	ssettag $0x2  }
0x55: {  	s0 =	rddreg [dreg:$0x0];
	s2 =	stileid.u32  }
0x56: {  	s1 =	rddreg [dreg:$0x1];
	p0 =	sne.s32 s2, $0x0  }
0x57: {  	s3 =	rddreg [dreg:$0x2];
	[bflag:$0x3] =	sbarrier.arrive $0xFFFF;
	s2 =	simm.s32 @!p0 $0x1C01  }
0x58: {  	[timem:s3], [sflag:s2] =	dma.local @!p0 [hbm:s0], s1  }
0x59: {  	s0 =	simm.s32 @!p0 $0x1  }
0x5a: {  	_ =	swait.ge @!p0 [sflag:s0], s1  }
0x5b: {  	s1 =	ssub.s32 @!p0 $0x0, s1;
	[sflag:s0] =	ssyncset.done @!p0 $0x0  }
0x5c: {  	[sflag:s0] =	ssyncadd.s32 @!p0 s1  }
0x5d: {  	[bflag:$0x3] =	sbarrier.arrive $0xFFFF  }
0x5e: {  	_ =	shalt  }

// kernel: scatter_offload_async_start
scs
__scs_entry_jumppad:
0x0: {  	(pc) =	sbr.rel $0x88, $3  }
0x1: {  	(tag) =	ssettag $0x0;
	lr =	simm.s32 $0x1  }
0x2: {  	[smem:$0x3F99] =	sst lr;
	_ =	strace $0xD0000000  }
0x3: {  	_ = 	snop  }
0x4: {  	_ = 	snop  }
0x5: {  	_ = 	snop  }
0x6: {  	_ = 	snop  }
0x7: {  	_ = 	snop  }
__scs_overlays_trampoline_lowered:
0x8: {  	[smem:$0x3FA8] =	sst s0  }
0x9: {  	[smem:$0x3FA9] =	sst s1  }
0xa: {  	[smem:$0x3FAA] =	sst s2  }
0xb: {  	[smem:$0x3FAB] =	sst s3  }
0xc: {  	[smem:$0x3FAC] =	sst s4  }
0xd: {  	[smem:$0x3FAD] =	sst s5  }
0xe: {  	[smem:$0x3FAE] =	sst s6  }
0xf: {  	[smem:$0x3FAF] =	sst s7  }
0x10: {  	[smem:$0x3FB0] =	sst s8  }
0x11: {  	[smem:$0x3FB1] =	sst s9;
	s0 =	simm.s32 @!p0 $0x0  }
0x12: {  	s1 =	sld [smem:$0x3F97];
	s0 =	simm.s32 @p0 $0x1  }
0x13: {  	[smem:$0x3FB2] =	sst s0;
	s0 =	simm.s32 @!p1 $0x0  }
0x14: {  	s2 =	sld [smem:$0x3F96];
	s0 =	simm.s32 @p1 $0x1  }
0x15: {  	[smem:$0x3FB3] =	sst s0;
	s0 =	simm.s32 @!p2 $0x0  }
0x16: {  	s3 =	sld [smem:$0x3FDB];
	s0 =	simm.s32 @p2 $0x1  }
0x17: {  	s4 =	simm.s32 $0x1BF5;
	[smem:$0x3FB5] =	sst s0  }
0x18: {  	s0 =	sld [smem:$0x3F98];
	_ =	swait.ge [sflag:s4], $0x0  }
0x19: {  	s7 =	sld [smem:$0x3F99]  }
0x1a: {  	s8 =	sadd.s32 $0xFFFFE003, lr  }
0x1b: {  	s9 =	sadd.s32 $0xFFFFFEF7, lr;
	s5 =	simm.s32 $0xFFFFFFFF;
	p2 =	slt.u32 s8, $0xFFFFF086  }
0x1c: {  	p1 =	slt.u32 s9, $0xF7A;
	s5 =	simm.s32 @!p2 $0x0  }
0x1d: {  	s5 =	simm.s32 @p1 $0x1;
	p0 =	seq.s32 s7, s2  }
0x1e: {  	s7 =	smul.u32 @!p0 $0xF7A, s2;
	p2 =	seq.s32 @!p0 s5, $0x0  }
0x1f: {  	s9 =	smul.u32 $0xF7A, s1;
	s8 =	simm.s32 @!p0 $0x1BF5;
	p2 =	por !p2, p0  }
0x20: {  	[sflag:s8] =	ssyncset.s32 @!p0 $0xFFFFF086;
	s6 =	sadd.s32 @!p0 s3, s7;
	s7 =	simm.s32 @!p0 $0x108  }
0x21: {  	s3 =	sadd.s32 s3, s9;
	s6 =	sadd.s32 @!p0 $0x88, s6;
	s7 =	simm.s32 @p2 $0x1082  }
0x22: {  	[simem:s7], [sflag:s8] =	dma.local @!p0 [hbm:s6], $0xF7A  }
0x23: {  	s9 =	sor.u32 $0xD0000000, s2;
	s6 =	simm.s32 $0x108;
	_ =	swait.ge @!p0 [sflag:s8], $0x0  }
0x24: {  	s3 =	sadd.s32 $0x88, s3;
	s6 =	simm.s32 @!p1 $0x1082;
	[sflag:s4] =	ssyncset.s32 $0xFFFFF086  }
0x25: {  	[simem:s6], [sflag:s4] =	dma.local [hbm:s3], $0xF7A  }
0x26: {  	[smem:$0x3F99] =	sst s1;
	(tag) =	ssettag s2;
	_ =	strace s9  }
0x27: {  	s1 =	sld [smem:$0x3FA9]  }
0x28: {  	s2 =	sld [smem:$0x3FAA]  }
0x29: {  	s4 =	sld [smem:$0x3FAC]  }
0x2a: {  	p0 =	seq.s32 s5, $0x0;
	s5 =	sld [smem:$0x3FAD]  }
0x2b: {  	s6 =	sld [smem:$0x3FAE]  }
0x2c: {  	s7 =	sld [smem:$0x3FAF]  }
0x2d: {  	s3 =	simm.s32 $0x108;
	s8 =	sld [smem:$0x3FB0]  }
0x2e: {  	s3 =	simm.s32 @!p0 $0x1082;
	s9 =	sld [smem:$0x3FB1]  }
0x2f: {  	lr =	sadd.s32 s0, s3;
	s0 =	sld [smem:$0x3FA8]  }
0x30: {  	s3 =	sld [smem:$0x3FAB]  }
0x31: {  	[smem:$0x3FB4] =	sst s10  }
0x32: {  	s10 =	sld [smem:$0x3FB2];
	_ =	sdelay $0x3  }
0x33: {  	p0 =	seq.s32 s10, $0x1;
	s10 =	sld [smem:$0x3FB4];
	_ =	sdelay $0x3  }
0x34: {  	[smem:$0x3FB4] =	sst s10  }
0x35: {  	s10 =	sld [smem:$0x3FB3];
	_ =	sdelay $0x3  }
0x36: {  	p1 =	seq.s32 s10, $0x1;
	s10 =	sld [smem:$0x3FB4];
	_ =	sdelay $0x3  }
0x37: {  	[smem:$0x3FB4] =	sst s10  }
0x38: {  	s10 =	sld [smem:$0x3FB5]  }
0x39: {  	_ = 	snop;
	(pc) =	sbr.ind lr, $3  }
0x3a: {  	_ = 	snop  }
0x3b: {  	_ = 	snop  }
0x3c: {  	p2 =	seq.s32 s10, $0x1;
	s10 =	sld [smem:$0x3FB4]  }
0x3d: {  	_ =	shalt  }
0x3e: {  	_ =	shalt  }
0x3f: {  	_ =	shalt  }
0x40: {  	_ =	shalt  }
0x41: {  	_ =	shalt  }
0x42: {  	_ =	shalt  }
0x43: {  	_ =	shalt  }
0x44: {  	_ =	shalt  }
0x45: {  	_ =	shalt  }
0x46: {  	_ =	shalt  }
0x47: {  	_ =	shalt  }
0x48: {  	_ =	shalt  }
0x49: {  	_ =	shalt  }
0x4a: {  	_ =	shalt  }
0x4b: {  	_ =	shalt  }
0x4c: {  	_ =	shalt  }
0x4d: {  	_ =	shalt  }
0x4e: {  	_ =	shalt  }
0x4f: {  	_ =	shalt  }
0x50: {  	_ =	shalt  }
0x51: {  	_ =	shalt  }
0x52: {  	_ =	shalt  }
0x53: {  	_ =	shalt  }
0x54: {  	_ =	shalt  }
0x55: {  	_ =	shalt  }
0x56: {  	_ =	shalt  }
0x57: {  	_ =	shalt  }
0x58: {  	_ =	shalt  }
0x59: {  	_ =	shalt  }
0x5a: {  	_ =	shalt  }
0x5b: {  	_ =	shalt  }
0x5c: {  	_ =	shalt  }
0x5d: {  	_ =	shalt  }
0x5e: {  	_ =	shalt  }
0x5f: {  	_ =	shalt  }
0x60: {  	_ =	shalt  }
0x61: {  	_ =	shalt  }
0x62: {  	_ =	shalt  }
0x63: {  	_ =	shalt  }
0x64: {  	_ =	shalt  }
0x65: {  	_ =	shalt  }
0x66: {  	_ =	shalt  }
0x67: {  	_ =	shalt  }
0x68: {  	_ =	shalt  }
0x69: {  	_ =	shalt  }
0x6a: {  	_ =	shalt  }
0x6b: {  	_ =	shalt  }
0x6c: {  	_ =	shalt  }
0x6d: {  	_ =	shalt  }
0x6e: {  	_ =	shalt  }
0x6f: {  	_ =	shalt  }
0x70: {  	_ =	shalt  }
0x71: {  	_ =	shalt  }
0x72: {  	_ =	shalt  }
0x73: {  	_ =	shalt  }
0x74: {  	_ =	shalt  }
0x75: {  	_ =	shalt  }
0x76: {  	_ =	shalt  }
0x77: {  	_ =	shalt  }
0x78: {  	_ =	shalt  }
0x79: {  	_ =	shalt  }
0x7a: {  	_ =	shalt  }
0x7b: {  	_ =	shalt  }
0x7c: {  	_ =	shalt  }
0x7d: {  	_ =	shalt  }
0x7e: {  	_ =	shalt  }
0x7f: {  	_ =	shalt  }
0x80: {  	_ =	shalt  }
0x81: {  	_ =	shalt  }
0x82: {  	_ =	shalt  }
0x83: {  	_ =	shalt  }
0x84: {  	_ =	shalt  }
0x85: {  	_ =	shalt  }
0x86: {  	_ =	shalt  }
0x87: {  	_ =	shalt  }
.Lfunc_end0:
.L_simem_size_0:
called_computation_lowered:
.L_overlay_start_0:
0x88: {  	s2 =	sld [smem:$0x3FD9]  }
0x89: {  	s3 =	sld [smem:$0x3FFE];
	_ =	sdelay $0x1  }
0x8a: {  	s1 =	srdreg.scid  }
0x8b: {  	s0 =	sand.u32 $0x1, s1  }
0x8c: {  	s16 =	sshll.u32 s0, $0xA;
	s2 =	sadd.s32 s3, s2  }
0x8d: {  	s2 =	sadd.s32 s2, s16  }
0x8e: {  	[smem:$0x3FC0] =	sst s2  }
0x8f: {  	_ = 	snop  }
0x90: {  	s2 =	sld [smem:$0x3FD0];
	(tm) =	ssettm $0x1  }
0x91: {  	s17 =	sld [smem:$0x3FFB];
	_ =	sdelay $0x3  }
0x92: {  	_ =	strace s17  }
0x93: {  	s3 =	sld [smem:$0x3FFC];
	_ =	sdelay $0x3  }
0x94: {  	_ =	strace s3  }
0x95: {  	s3 =	sld [smem:$0x3FFD];
	_ =	sdelay $0x3  }
0x96: {  	_ =	strace s3  }
0x97: {  	_ =	strace $0x8FFFFFFF  }
0x98: {  	s18 =	sld [smem:$0x3FDB];
	_ =	sdelay $0x1  }
0x99: {  	s4 =	simm.s32 $_scs_section_size  }
0x9a: {  	s5 =	simm.s32 $_size__tile_overlayer_lowered;
	s6 =	simm.s32 $_tile_overlayer_lowered  }
0x9b: {  	s21 =	simm.s32 $0x1BFF;
	s20 =	sshll.u32 s6, $0x1;
	s3 =	sadd.s32 s4, s18  }
0x9c: {  	s7 =	simm.s32 $0x0;
	s19 =	sshll.u32 s5, $0x1;
	s5 =	sadd.s32 s20, s3  }
0x9d: {  	[timem:s7], [sflag:s21] =	dma.local [hbm:s5], s19  }
0x9e: {  	_ =	swait.ge [sflag:s21], s19  }
0x9f: {  	s4 =	ssub.s32 $0x0, s19;
	[sflag:s21] =	ssyncset.done $0x0  }
0xa0: {  	[sflag:s21] =	ssyncadd.s32 s4;
	_ =	sdelay $0x1  }
0xa1: {  	s22 =	simm.s32 $0x1B8B  }
0xa2: {  	_ =	swait.ge [sflag:s22], $0x1  }
0xa3: {  	[sflag:s22] =	ssyncset.done $0x0  }
0xa4: {  	s23 =	sld [smem:$0x3FFE];
	[sflag:s22] =	ssyncadd.s32 $0xFFFFFFFF  }
0xa5: {  	s25 =	simm.s32 $0x1B8E;
	s24 =	sld [smem:$0x0]  }
0xa6: {  	s26 =	simm.s32 $execute0_lowered;
	[smem:$0x3FD2] =	sst s25  }
0xa7: {  	s6 =	sshll.u32 s26, $0x1;
	_ =	strace $0x8000004C;
	[dreg:$0x1] =	wrdreg $0xFFFFFFFF  }
0xa8: {  	s28 =	simm.s32 $_size_execute0_lowered;
	s3 =	sadd.s32 s3, s6;
	[dreg:$0x0] =	wrdreg $0x0  }
0xa9: {  	s6 =	sshll.u32 s28, $0x1;
	[dreg:$0x2] =	wrdreg s3  }
0xaa: {  	[dreg:$0x3] =	wrdreg s6  }
0xab: {  	[dreg:$0x4] =	wrdreg $0xC0  }
0xac: {  	_ =	task [dreg:s7], $0x5FFFF  }
0xad: {  	[dreg:$0x1] =	wrdreg $0xFFFFFFFF  }
0xae: {  	[dreg:$0x0] =	wrdreg $0x60  }
0xaf: {  	[dreg:$0x2] =	wrdreg s2  }
0xb0: {  	[dreg:$0x3] =	wrdreg s23  }
0xb1: {  	[dreg:$0x4] =	wrdreg s1  }
0xb2: {  	[dreg:$0x5] =	wrdreg s24  }
0xb3: {  	[dreg:$0x6] =	wrdreg $0x9  }
0xb4: {  	_ =	task.clear_ibuf [dreg:s7], $0x7FFFF;
	_ =	strace $0x9000004C  }
0xb5: {  	s29 =	simm.s32 $0x9;
	_ =	strace $0x8000004E  }
0xb6: {  	_ =	swait.ge [sflag:s29], $0x1  }
0xb7: {  	[sflag:s29] =	ssyncadd.s32 $0xFFFFFFFF  }
0xb8: {  	_ =	strace $0x9000004E  }
0xb9: {  	_ =	sfence  }
0xba: {  	s30 =	sld [smem:$0x0];
	_ =	sdelay $0x2  }
0xbb: {  	s31 =	sshll.u32 s1, $0xD;
	s1 =	sshrl.u32 s1, $0x2  }
0xbc: {  	s3 =	sand.u32 $0x4000, s31;
	s1 =	sadd.s32 s1, s30  }
0xbd: {  	s0 =	sor.u32 s3, s0;
	s1 =	sshll.u32 s1, $0x11  }
0xbe: {  	s0 =	sor.u32 s1, s0  }
0xbf: {  	s0 =	sadd.s32 $0x8F2B, s0  }
0xc0: {  	[sflag:s0] =	ssyncadd.remote.s32 $0x1  }
0xc1: {  	_ =	sfence.sel $0xFFFF  }
0xc2: {  	[dreg:$0x0] =	wrdreg $0xFFFFFFFF;
	(pc) =	sbr.abs _section_cstart, $3  }
0xc3: {  	[dreg:$0x1] =	wrdreg $0xFFFFFFFF  }
0xc4: {  	_ =	task.clear_ibuf [dreg:s7], $0x2FFFF;
	_ =	strace $0x9FFFFFFF  }
0xc5: {  	(tm) =	ssettm $0x7FFFFFFF  }
tec
execute0_lowered:
.L_overlay_start_1:
0x0: {  	(tag) =	ssettag $0x1  }
0x1: {  	s1 =	rddreg [dreg:$0x0]  }
0x2: {  	s5 =	rddreg [dreg:$0x1]  }
0x3: {  	s0 =	rddreg [dreg:$0x2];
	_ =	strace $0x8000004D;
	s6 =	simm.s32 $0x1  }
0x4: {  	v0 =	vimm.s32 $0x0;
	[sflag:s6] =	ssyncpa.u1 $0x0  }
0x5: {  	[tilespmem:$0x48] =	vst v0  }
0x6: {  	[tilespmem:$0x58] =	vst v0  }
0x7: {  	[tilespmem:$0x68] =	vst v0  }
0x8: {  	[tilespmem:$0x78] =	vst v0  }
0x9: {  	[tilespmem:$0x88] =	vst v0  }
0xa: {  	[tilespmem:$0x98] =	vst v0  }
0xb: {  	[tilespmem:$0xA8] =	vst v0  }
0xc: {  	[tilespmem:$0xB8] =	vst v0  }
0xd: {  	[tilespmem:$0xC8] =	vst v0  }
0xe: {  	[tilespmem:$0xD8] =	vst v0  }
0xf: {  	[tilespmem:$0xE8] =	vst v0  }
0x10: {  	[tilespmem:$0xF8] =	vst v0  }
0x11: {  	[tilespmem:$0x108] =	vst v0  }
0x12: {  	[tilespmem:$0x118] =	vst v0  }
0x13: {  	[tilespmem:$0x128] =	vst v0  }
0x14: {  	[tilespmem:$0x138] =	vst v0  }
0x15: {  	[tilespmem:$0x148] =	vst v0  }
0x16: {  	[tilespmem:$0x158] =	vst v0  }
0x17: {  	[tilespmem:$0x168] =	vst v0  }
0x18: {  	[tilespmem:$0x178] =	vst v0  }
0x19: {  	[tilespmem:$0x188] =	vst v0  }
0x1a: {  	[tilespmem:$0x198] =	vst v0  }
0x1b: {  	[tilespmem:$0x1A8] =	vst v0  }
0x1c: {  	[tilespmem:$0x1B8] =	vst v0  }
0x1d: {  	[tilespmem:$0x1C8] =	vst v0  }
0x1e: {  	[tilespmem:$0x1D8] =	vst v0  }
0x1f: {  	[tilespmem:$0x1E8] =	vst v0  }
0x20: {  	[tilespmem:$0x1F8] =	vst v0  }
0x21: {  	[tilespmem:$0x208] =	vst v0  }
0x22: {  	[tilespmem:$0x218] =	vst v0  }
0x23: {  	[tilespmem:$0x228] =	vst v0  }
0x24: {  	[tilespmem:$0x238] =	vst v0  }
0x25: {  	[tilespmem:$0x248] =	vst v0  }
0x26: {  	[tilespmem:$0x258] =	vst v0  }
0x27: {  	[tilespmem:$0x268] =	vst v0  }
0x28: {  	[tilespmem:$0x278] =	vst v0  }
0x29: {  	[tilespmem:$0x288] =	vst v0  }
0x2a: {  	[tilespmem:$0x298] =	vst v0  }
0x2b: {  	[tilespmem:$0x2A8] =	vst v0  }
0x2c: {  	[tilespmem:$0x2B8] =	vst v0  }
0x2d: {  	[tilespmem:$0x2C8] =	vst v0  }
0x2e: {  	[tilespmem:$0x2D8] =	vst v0  }
0x2f: {  	[tilespmem:$0x2E8] =	vst v0  }
0x30: {  	[tilespmem:$0x2F8] =	vst v0  }
0x31: {  	[tilespmem:$0x308] =	vst v0  }
0x32: {  	[tilespmem:$0x318] =	vst v0  }
0x33: {  	[tilespmem:$0x328] =	vst v0  }
0x34: {  	[tilespmem:$0x338] =	vst v0  }
0x35: {  	[tilespmem:$0x348] =	vst v0  }
0x36: {  	[tilespmem:$0x358] =	vst v0  }
0x37: {  	[tilespmem:$0x368] =	vst v0  }
0x38: {  	[tilespmem:$0x378] =	vst v0  }
0x39: {  	[tilespmem:$0x388] =	vst v0  }
0x3a: {  	[tilespmem:$0x398] =	vst v0  }
0x3b: {  	[tilespmem:$0x3A8] =	vst v0  }
0x3c: {  	[tilespmem:$0x3B8] =	vst v0  }
0x3d: {  	[tilespmem:$0x3C8] =	vst v0  }
0x3e: {  	[tilespmem:$0x3D8] =	vst v0  }
0x3f: {  	[tilespmem:$0x3E8] =	vst v0  }
0x40: {  	[tilespmem:$0x3F8] =	vst v0  }
0x41: {  	[tilespmem:$0x408] =	vst v0  }
0x42: {  	[tilespmem:$0x418] =	vst v0  }
0x43: {  	[tilespmem:$0x428] =	vst v0  }
0x44: {  	[tilespmem:$0x438] =	vst v0  }
0x45: {  	[tilespmem:$0x448] =	vst v0  }
0x46: {  	[tilespmem:$0x458] =	vst v0  }
0x47: {  	[tilespmem:$0x468] =	vst v0  }
0x48: {  	[tilespmem:$0x478] =	vst v0  }
0x49: {  	[tilespmem:$0x488] =	vst v0  }
0x4a: {  	[tilespmem:$0x498] =	vst v0  }
0x4b: {  	[tilespmem:$0x4A8] =	vst v0  }
0x4c: {  	[tilespmem:$0x4B8] =	vst v0  }
0x4d: {  	[tilespmem:$0x4C8] =	vst v0  }
0x4e: {  	[tilespmem:$0x4D8] =	vst v0  }
0x4f: {  	[tilespmem:$0x4E8] =	vst v0  }
0x50: {  	[tilespmem:$0x4F8] =	vst v0  }
0x51: {  	[tilespmem:$0x508] =	vst v0  }
0x52: {  	[tilespmem:$0x518] =	vst v0  }
0x53: {  	[tilespmem:$0x528] =	vst v0  }
0x54: {  	[tilespmem:$0x538] =	vst v0  }
0x55: {  	[tilespmem:$0x548] =	vst v0  }
0x56: {  	[tilespmem:$0x558] =	vst v0  }
0x57: {  	[tilespmem:$0x568] =	vst v0  }
0x58: {  	[tilespmem:$0x578] =	vst v0  }
0x59: {  	[tilespmem:$0x588] =	vst v0  }
0x5a: {  	[tilespmem:$0x598] =	vst v0  }
0x5b: {  	[tilespmem:$0x5A8] =	vst v0  }
0x5c: {  	[tilespmem:$0x5B8] =	vst v0  }
0x5d: {  	[tilespmem:$0x5C8] =	vst v0  }
0x5e: {  	[tilespmem:$0x5D8] =	vst v0  }
0x5f: {  	[tilespmem:$0x5E8] =	vst v0  }
0x60: {  	[tilespmem:$0x5F8] =	vst v0  }
0x61: {  	[tilespmem:$0x608] =	vst v0  }
0x62: {  	[tilespmem:$0x618] =	vst v0  }
0x63: {  	[tilespmem:$0x628] =	vst v0  }
0x64: {  	[tilespmem:$0x638] =	vst v0  }
0x65: {  	[tilespmem:$0x648] =	vst v0  }
0x66: {  	[tilespmem:$0x658] =	vst v0  }
0x67: {  	[tilespmem:$0x668] =	vst v0  }
0x68: {  	[tilespmem:$0x678] =	vst v0  }
0x69: {  	[tilespmem:$0x688] =	vst v0  }
0x6a: {  	[tilespmem:$0x698] =	vst v0  }
0x6b: {  	[tilespmem:$0x6A8] =	vst v0  }
0x6c: {  	[tilespmem:$0x6B8] =	vst v0  }
0x6d: {  	[tilespmem:$0x6C8] =	vst v0  }
0x6e: {  	[tilespmem:$0x6D8] =	vst v0  }
0x6f: {  	[tilespmem:$0x6E8] =	vst v0  }
0x70: {  	[tilespmem:$0x6F8] =	vst v0  }
0x71: {  	[tilespmem:$0x708] =	vst v0  }
0x72: {  	[tilespmem:$0x718] =	vst v0  }
0x73: {  	[tilespmem:$0x728] =	vst v0  }
0x74: {  	[tilespmem:$0x738] =	vst v0  }
0x75: {  	[tilespmem:$0x748] =	vst v0  }
0x76: {  	[tilespmem:$0x758] =	vst v0  }
0x77: {  	[tilespmem:$0x768] =	vst v0  }
0x78: {  	[tilespmem:$0x778] =	vst v0  }
0x79: {  	[tilespmem:$0x788] =	vst v0  }
0x7a: {  	[tilespmem:$0x798] =	vst v0  }
0x7b: {  	[tilespmem:$0x7A8] =	vst v0  }
0x7c: {  	[tilespmem:$0x7B8] =	vst v0  }
0x7d: {  	[tilespmem:$0x7C8] =	vst v0  }
0x7e: {  	[tilespmem:$0x7D8] =	vst v0  }
0x7f: {  	[tilespmem:$0x7E8] =	vst v0  }
0x80: {  	[tilespmem:$0x7F8] =	vst v0  }
0x81: {  	[tilespmem:$0x808] =	vst v0  }
0x82: {  	[tilespmem:$0x818] =	vst v0  }
0x83: {  	[tilespmem:$0x828] =	vst v0  }
0x84: {  	[tilespmem:$0x838] =	vst v0  }
0x85: {  	[tilespmem:$0x848] =	vst v0  }
0x86: {  	[tilespmem:$0x858] =	vst v0  }
0x87: {  	[tilespmem:$0x868] =	vst v0  }
0x88: {  	[tilespmem:$0x878] =	vst v0  }
0x89: {  	[tilespmem:$0x888] =	vst v0  }
0x8a: {  	[tilespmem:$0x898] =	vst v0  }
0x8b: {  	[tilespmem:$0x8A8] =	vst v0  }
0x8c: {  	[tilespmem:$0x8B8] =	vst v0  }
0x8d: {  	[tilespmem:$0x8C8] =	vst v0  }
0x8e: {  	[tilespmem:$0x8D8] =	vst v0  }
0x8f: {  	[tilespmem:$0x8E8] =	vst v0  }
0x90: {  	[tilespmem:$0x8F8] =	vst v0  }
0x91: {  	[tilespmem:$0x908] =	vst v0  }
0x92: {  	[tilespmem:$0x918] =	vst v0  }
0x93: {  	[tilespmem:$0x928] =	vst v0  }
0x94: {  	[tilespmem:$0x938] =	vst v0  }
0x95: {  	[tilespmem:$0x948] =	vst v0  }
0x96: {  	[tilespmem:$0x958] =	vst v0  }
0x97: {  	[tilespmem:$0x968] =	vst v0  }
0x98: {  	[tilespmem:$0x978] =	vst v0  }
0x99: {  	[tilespmem:$0x988] =	vst v0  }
0x9a: {  	[tilespmem:$0x998] =	vst v0  }
0x9b: {  	[tilespmem:$0x9A8] =	vst v0  }
0x9c: {  	[tilespmem:$0x9B8] =	vst v0  }
0x9d: {  	[tilespmem:$0x9C8] =	vst v0  }
0x9e: {  	[tilespmem:$0x9D8] =	vst v0  }
0x9f: {  	[tilespmem:$0x9E8] =	vst v0  }
0xa0: {  	[tilespmem:$0x9F8] =	vst v0  }
0xa1: {  	[tilespmem:$0xA08] =	vst v0  }
0xa2: {  	[tilespmem:$0xA18] =	vst v0  }
0xa3: {  	[tilespmem:$0xA28] =	vst v0  }
0xa4: {  	[tilespmem:$0xA38] =	vst v0  }
0xa5: {  	[tilespmem:$0xA48] =	vst v0  }
0xa6: {  	[tilespmem:$0xA58] =	vst v0  }
0xa7: {  	[tilespmem:$0xA68] =	vst v0  }
0xa8: {  	[tilespmem:$0xA78] =	vst v0  }
0xa9: {  	[tilespmem:$0xA88] =	vst v0  }
0xaa: {  	[tilespmem:$0xA98] =	vst v0  }
0xab: {  	[tilespmem:$0xAA8] =	vst v0  }
0xac: {  	[tilespmem:$0xAB8] =	vst v0  }
0xad: {  	[tilespmem:$0xAC8] =	vst v0  }
0xae: {  	[tilespmem:$0xAD8] =	vst v0  }
0xaf: {  	[tilespmem:$0xAE8] =	vst v0  }
0xb0: {  	[tilespmem:$0xAF8] =	vst v0  }
0xb1: {  	[tilespmem:$0xB08] =	vst v0  }
0xb2: {  	[tilespmem:$0xB18] =	vst v0  }
0xb3: {  	[tilespmem:$0xB28] =	vst v0  }
0xb4: {  	[tilespmem:$0xB38] =	vst v0  }
0xb5: {  	[tilespmem:$0xB48] =	vst v0  }
0xb6: {  	[tilespmem:$0xB58] =	vst v0  }
0xb7: {  	[tilespmem:$0xB68] =	vst v0  }
0xb8: {  	[tilespmem:$0xB78] =	vst v0  }
0xb9: {  	[tilespmem:$0xB88] =	vst v0  }
0xba: {  	[tilespmem:$0xB98] =	vst v0  }
0xbb: {  	[tilespmem:$0xBA8] =	vst v0  }
0xbc: {  	[tilespmem:$0xBB8] =	vst v0  }
0xbd: {  	[tilespmem:$0xBC8] =	vst v0  }
0xbe: {  	[tilespmem:$0xBD8] =	vst v0  }
0xbf: {  	[tilespmem:$0xBE8] =	vst v0  }
0xc0: {  	[tilespmem:$0xBF8] =	vst v0  }
0xc1: {  	[tilespmem:$0xC08] =	vst v0  }
0xc2: {  	[tilespmem:$0xC18] =	vst v0  }
0xc3: {  	[tilespmem:$0xC28] =	vst v0  }
0xc4: {  	[tilespmem:$0xC38] =	vst v0  }
0xc5: {  	[tilespmem:$0xC48] =	vst v0  }
0xc6: {  	[tilespmem:$0xC58] =	vst v0  }
0xc7: {  	[tilespmem:$0xC68] =	vst v0  }
0xc8: {  	[tilespmem:$0xC78] =	vst v0  }
0xc9: {  	[tilespmem:$0xC88] =	vst v0  }
0xca: {  	[tilespmem:$0xC98] =	vst v0  }
0xcb: {  	[tilespmem:$0xCA8] =	vst v0  }
0xcc: {  	[tilespmem:$0xCB8] =	vst v0  }
0xcd: {  	[tilespmem:$0xCC8] =	vst v0  }
0xce: {  	[tilespmem:$0xCD8] =	vst v0  }
0xcf: {  	[tilespmem:$0xCE8] =	vst v0  }
0xd0: {  	[tilespmem:$0xCF8] =	vst v0  }
0xd1: {  	[tilespmem:$0xD08] =	vst v0  }
0xd2: {  	[tilespmem:$0xD18] =	vst v0  }
0xd3: {  	[tilespmem:$0xD28] =	vst v0  }
0xd4: {  	[tilespmem:$0xD38] =	vst v0  }
0xd5: {  	[tilespmem:$0xD48] =	vst v0  }
0xd6: {  	[tilespmem:$0xD58] =	vst v0  }
0xd7: {  	[tilespmem:$0xD68] =	vst v0  }
0xd8: {  	[tilespmem:$0xD78] =	vst v0  }
0xd9: {  	[tilespmem:$0xD88] =	vst v0  }
0xda: {  	[tilespmem:$0xD98] =	vst v0  }
0xdb: {  	[tilespmem:$0xDA8] =	vst v0  }
0xdc: {  	[tilespmem:$0xDB8] =	vst v0  }
0xdd: {  	[tilespmem:$0xDC8] =	vst v0  }
0xde: {  	[tilespmem:$0xDD8] =	vst v0  }
0xdf: {  	[tilespmem:$0xDE8] =	vst v0  }
0xe0: {  	[tilespmem:$0xDF8] =	vst v0  }
0xe1: {  	[tilespmem:$0xE08] =	vst v0  }
0xe2: {  	[tilespmem:$0xE18] =	vst v0  }
0xe3: {  	[tilespmem:$0xE28] =	vst v0  }
0xe4: {  	[tilespmem:$0xE38] =	vst v0  }
0xe5: {  	[tilespmem:$0xE48] =	vst v0  }
0xe6: {  	[tilespmem:$0xE58] =	vst v0  }
0xe7: {  	[tilespmem:$0xE68] =	vst v0  }
0xe8: {  	[tilespmem:$0xE78] =	vst v0  }
0xe9: {  	[tilespmem:$0xE88] =	vst v0  }
0xea: {  	[tilespmem:$0xE98] =	vst v0  }
0xeb: {  	[tilespmem:$0xEA8] =	vst v0  }
0xec: {  	[tilespmem:$0xEB8] =	vst v0  }
0xed: {  	[tilespmem:$0xEC8] =	vst v0  }
0xee: {  	[tilespmem:$0xED8] =	vst v0  }
0xef: {  	[tilespmem:$0xEE8] =	vst v0  }
0xf0: {  	[tilespmem:$0xEF8] =	vst v0  }
0xf1: {  	[tilespmem:$0xF08] =	vst v0  }
0xf2: {  	[tilespmem:$0xF18] =	vst v0  }
0xf3: {  	[tilespmem:$0xF28] =	vst v0  }
0xf4: {  	[tilespmem:$0xF38] =	vst v0  }
0xf5: {  	[tilespmem:$0xF48] =	vst v0  }
0xf6: {  	[tilespmem:$0xF58] =	vst v0  }
0xf7: {  	[tilespmem:$0xF68] =	vst v0  }
0xf8: {  	[tilespmem:$0xF78] =	vst v0  }
0xf9: {  	[tilespmem:$0xF88] =	vst v0  }
0xfa: {  	[tilespmem:$0xF98] =	vst v0  }
0xfb: {  	[tilespmem:$0xFA8] =	vst v0  }
0xfc: {  	[tilespmem:$0xFB8] =	vst v0  }
0xfd: {  	[tilespmem:$0xFC8] =	vst v0  }
0xfe: {  	[tilespmem:$0xFD8] =	vst v0  }
0xff: {  	[tilespmem:$0xFE8] =	vst v0  }
0x100: {  	s2 =	simm.s32 $0x2;
	[tilespmem:$0xFF8] =	vst v0  }
0x101: {  	s28 =	stileid.u32;
	s3 =	simm.s32 $0x9;
	s29 =	simm.s32 $0xA;
	[tilespmem:$0x1008] =	vst v0  }
0x102: {  	s30 =	simm.s32 $0xB;
	s17 =	simm.s32 $0x0;
	s18 =	simm.s32 $0x2448;
	[tilespmem:$0x1018] =	vst v0  }
0x103: {  	s13 =	simm.s32 $0xC;
	s25 =	simm.s32 $0x0;
	s23 =	simm.s32 $0x0;
	[tilespmem:$0x1038] =	vst v0  }
0x104: {  	s22 =	simm.s32 $0x0;
	s0 =	sand.u32 $0x1, s0;
	s8 =	sadd.s32 $0x400, s5;
	[tilespmem:$0x1058] =	vst v0  }
0x105: {  	s10 =	sshll.u32 s28, $0x7;
	s11 =	sshll.u32 s28, $0x6;
	[dreg:$0x5] =	wrdreg s0;
	[tilespmem:$0x1048] =	vst v0  }
.Ltmp0:
0x106: {  	[tilespmem:$0x1028] =	vst v0;
	s0 =	sshll.u32 s0, $0x8;
	[sflag:s2] =	ssyncpa.u1 $0x0;
	(pc) =	sbr.rel .LBB2_1-.Ltmp0, $4  }
0x107: {  	v0 =	vimm.s32 $0xFFFFFFFF;
	s12 =	sadd.s32 $0x80, s10;
	[dreg:$0x6] =	wrdreg s10;
	s0 =	sadd.s32 s0, s5  }
0x108: {  	[dreg:$0x8] =	wrdreg s11;
	[tilespmem:$0x2088] =	vst v0;
	[sflag:s3] =	ssyncpa.u1 $0x0;
	s31 =	sadd.s32 $0x200, s0  }
0x109: {  	[sflag:s29] =	ssyncpa.u1 $0x0;
	s0 =	sadd.s32 $0x50400, s0;
	[dreg:$0x7] =	wrdreg s31  }
0x10a: {  	s24 =	smov.u32 s10;
	v0 =	vlaneseq.u32;
	[sflag:s30] =	ssyncpa.u1 $0x0;
	[dreg:$0x9] =	wrdreg s0  }
.LBB2_2:
0x10b: {  	p0 =	sgt.s32 s24, $0x780;
	s0 =	smov.u32 s24;
	s2 =	sshra.s32 s24, $0x1F  }
0x10c: {  	s0 =	simm.s32 @!p0 $0x780;
	s2 =	sand.u32 s2, s24  }
0x10d: {  	s0 =	ssub.s32 s0, s2  }
0x10e: {  	s0 =	sadd.s32 $0xFFFFF880, s0  }
0x10f: {  	s29 =	sshll.u32 s0, $0x2  }
0x110: {  	s30 =	sshrl.u32 s24, $0x3;
	s3 =	rddreg [dreg:$0x9];
	s2 =	ssub.s32 $0x200, s29  }
0x111: {  	s31 =	sand.u32 $0x7, s24;
	p0 =	sgt.s32 s0, $0x7F;
	s0 =	sshrl.u32 s2, $0x2  }
0x112: {  	s4 =	simm.s32 $0x24C8;
	s2 =	sadd.s32 s30, s3;
	s0 =	simm.s32 @p0 $0x0  }
0x113: {  	[tilespmem:s4], [sflag:$0xA] =	stream.linear.gather [hbm4b:s2+s31], s0, $0x38;
	[tilespmem:$0xA748] =	vst v63  }
.LBB2_25:
0x114: {  	s0 =	sadd.s32 $0x80, s24  }
0x115: {  	s2 =	smov.u32 s10;
	s22 =	sadd.s32 $0x1, s22;
	p0 =	slt.s32 s0, s12  }
0x116: {  	s2 =	smov.u32 @p0 s0;
	p0 =	sne.s32 s22, $0x3  }
.Ltmp1:
0x117: {  	_ = 	snop;
	(pc) =	sbr.rel @!p0 .LBB2_26-.Ltmp1, $3  }
0x118: {  	_ =	sdelay $0x1  }
0x119: {  	s25 =	smov.u32 s23  }
0x11a: {  	s23 =	smov.u32 s24;
	s18 =	sadd.s32 $0x80, s18;
	s24 =	smov.u32 s2  }
.LBB2_1:
0x11b: {  	p0 =	sne.s32 s22, $0x0  }
.Ltmp2:
0x11c: {  	_ = 	snop;
	(pc) =	sbr.rel @!p0 .LBB2_2-.Ltmp2, $1  }
0x11d: {  	_ =	sdelay $0x3  }
0x11e: {  	s0 =	sand.u32 $0x1, s22  }
0x11f: {  	p0 =	seq.s32 s0, $0x0  }
.Ltmp3:
0x120: {  	_ = 	snop;
	(pc) =	sbr.rel @p0 .LBB2_7-.Ltmp3, $1  }
0x121: {  	_ =	sdelay $0x3  }
0x122: {  	p0 =	sgt.s32 s23, $0x780;
	s0 =	smov.u32 s23;
	s2 =	sshra.s32 s23, $0x1F  }
0x123: {  	s0 =	simm.s32 @!p0 $0x780;
	s2 =	sand.u32 s2, s23  }
0x124: {  	s0 =	ssub.s32 s0, s2  }
0x125: {  	s0 =	sadd.s32 $0xFFFFF880, s0  }
0x126: {  	s4 =	sshll.u32 s0, $0x2  }
0x127: {  	s2 =	ssub.s32 $0x200, s4  }
0x128: {  	p0 =	sgt.s32 s0, $0x7F;
	s0 =	sshrl.u32 s2, $0x2  }
0x129: {  	s4 =	simm.s32 $0xA;
	s0 =	simm.s32 @p0 $0x0  }
0x12a: {  	s3 =	sshrl.u32 s23, $0x3;
	s9 =	sand.u32 $0x7, s23;
	_ =	swait.ge [sflag:s4], s0  }
0x12b: {  	s5 =	ssub.s32 $0x0, s0;
	[sflag:s4] =	ssyncset.done $0x0;
	s7 =	rddreg [dreg:$0x7]  }
0x12c: {  	s10 =	simm.s32 $0x2648;
	[sflag:s4] =	ssyncadd.s32 s5;
	s2 =	sadd.s32 s3, s7  }
0x12d: {  	[tilespmem:s10], [sflag:$0xB] =	stream.linear.gather [hbm4b:s2+s9], s0, $0x38;
	[tilespmem:$0xA748] =	vst v63  }
0x12e: {  	v1 =	vld.msk [tilespmem:s18+$0x0], $0xffff;
	_ =	sdelay $0x4  }
0x12f: {  	v1 =	vshll.u32 v1, $0x4  }
0x130: {  	(v2sf) =	vpush v1, $0x0  }
0x131: {  	(v2sf) =	vpush v1, $0x1  }
0x132: {  	(v2sf) =	vpush v1, $0x2;
	_ =	sdelay $0x1  }
0x133: {  	(v2sf) =	vpush v1, $0x3;
	_ =	sdelay $0x1  }
0x134: {  	(v2sf) =	vpush v1, $0x4;
	_ =	sdelay $0x1  }
0x135: {  	(v2sf) =	vpush v1, $0x5;
	_ =	sdelay $0x1  }
0x136: {  	(v2sf) =	vpush v1, $0x6  }
0x137: {  	s19 =	simm.s32 $0x2AC8  }
0x138: {  	s21 =	simm.s32 $0x2B48;
	s26 =	simm.s32 $0x28C8;
	s28 =	simm.s32 $0x2948;
	(v2sf) =	vpush v1, $0x7  }
0x139: {  	s29 =	simm.s32 $0x29C8;
	s30 =	simm.s32 $0x27C8;
	s31 =	simm.s32 $0x2848  }
0x13a: {  	s16 =	simm.s32 $0x2748;
	s4 =	simm.s32 $0x2BC8;
	s3 =	simm.s32 $0x2C48;
	(v2sf) =	vpush v1, $0x8  }
0x13b: {  	s5 =	simm.s32 $0x2A48;
	s0 =	simm.s32 $0x2D48;
	s14 =	spop (v2sf)  }
0x13c: {  	s2 =	simm.s32 $0x2CC8;
	(v2sf) =	vpush v1, $0x9;
	s14 =	sand.u32 $0x1FFFFFF0, s14;
	s7 =	spop (v2sf)  }
0x13d: {  	(v2sf) =	vpush v1, $0xA;
	s14 =	sadd.s32 s8, s14;
	s7 =	sand.u32 $0x1FFFFFF0, s7;
	s9 =	spop (v2sf)  }
0x13e: {  	[tilespmem:s16], [sflag:$0x9] =	stream.linear.gather [hbm4b:s14+s17], $0x20, $0x38;
	[tilespmem:$0xA748] =	vst v63  }
0x13f: {  	(v2sf) =	vpush v1, $0xB;
	s7 =	sadd.s32 s8, s7;
	s9 =	sand.u32 $0x1FFFFFF0, s9;
	s11 =	spop (v2sf)  }
0x140: {  	[tilespmem:s30], [sflag:$0x9] =	stream.linear.gather [hbm4b:s7+s17], $0x20, $0x38;
	[tilespmem:$0xA748] =	vst v63  }
0x141: {  	(v2sf) =	vpush v1, $0xC;
	s13 =	sadd.s32 s8, s9;
	s14 =	sand.u32 $0x1FFFFFF0, s11;
	s15 =	spop (v2sf)  }
0x142: {  	[tilespmem:s31], [sflag:$0x9] =	stream.linear.gather [hbm4b:s13+s17], $0x20, $0x38;
	[tilespmem:$0xA748] =	vst v63  }
0x143: {  	s16 =	sadd.s32 s8, s14;
	s20 =	sand.u32 $0x1FFFFFF0, s15;
	s31 =	spop (v2sf)  }
0x144: {  	[tilespmem:s26], [sflag:$0x9] =	stream.linear.gather [hbm4b:s16+s17], $0x20, $0x38;
	[tilespmem:$0xA748] =	vst v63  }
0x145: {  	(v2sf) =	vpush v1, $0xD;
	s9 =	sadd.s32 s8, s20;
	s10 =	sand.u32 $0x1FFFFFF0, s31;
	s11 =	spop (v2sf)  }
0x146: {  	[tilespmem:s28], [sflag:$0x9] =	stream.linear.gather [hbm4b:s9+s17], $0x20, $0x38;
	[tilespmem:$0xA748] =	vst v63  }
0x147: {  	(v2sf) =	vpush v1, $0xE;
	s13 =	sadd.s32 s8, s10;
	s15 =	sand.u32 $0x1FFFFFF0, s11;
	s16 =	spop (v2sf)  }
0x148: {  	[tilespmem:s29], [sflag:$0x9] =	stream.linear.gather [hbm4b:s13+s17], $0x20, $0x38;
	[tilespmem:$0xA748] =	vst v63  }
0x149: {  	(v2sf) =	vpush v1, $0xF;
	s20 =	sadd.s32 s8, s15;
	s26 =	sand.u32 $0x1FFFFFF0, s16;
	s31 =	spop (v2sf)  }
0x14a: {  	[tilespmem:s5], [sflag:$0x9] =	stream.linear.gather [hbm4b:s20+s17], $0x20, $0x38;
	[tilespmem:$0xA748] =	vst v63  }
0x14b: {  	s30 =	sadd.s32 $0x10, s18;
	s9 =	sadd.s32 s8, s26;
	s11 =	spop (v2sf)  }
0x14c: {  	s10 =	sand.u32 $0x1FFFFFF0, s31;
	s28 =	simm.s32 $0x2EC8;
	s15 =	spop (v2sf)  }
0x14d: {  	[tilespmem:s19], [sflag:$0x9] =	stream.linear.gather [hbm4b:s9+s17], $0x20, $0x38;
	[tilespmem:$0xA748] =	vst v63  }
0x14e: {  	s13 =	sadd.s32 s8, s10;
	s14 =	sand.u32 $0x1FFFFFF0, s11;
	s20 =	spop (v2sf)  }
0x14f: {  	[tilespmem:s21], [sflag:$0x9] =	stream.linear.gather [hbm4b:s13+s17], $0x20, $0x38;
	[tilespmem:$0xA748] =	vst v63  }
0x150: {  	s16 =	sadd.s32 s8, s14;
	s19 =	sand.u32 $0x1FFFFFF0, s15;
	s31 =	spop (v2sf)  }
0x151: {  	[tilespmem:s4], [sflag:$0x9] =	stream.linear.gather [hbm4b:s16+s17], $0x20, $0x38;
	[tilespmem:$0xA748] =	vst v63  }
0x152: {  	s26 =	sand.u32 $0x1FFFFFF0, s20;
	s21 =	sadd.s32 s8, s19;
	s10 =	sand.u32 $0x1FFFFFF0, s31  }
0x153: {  	[tilespmem:s3], [sflag:$0x9] =	stream.linear.gather [hbm4b:s21+s17], $0x20, $0x38;
	[tilespmem:$0xA748] =	vst v63  }
0x154: {  	s9 =	sadd.s32 s8, s26;
	s11 =	spop (v2sf);
	s13 =	sadd.s32 s8, s10  }
0x155: {  	[tilespmem:s2], [sflag:$0x9] =	stream.linear.gather [hbm4b:s9+s17], $0x20, $0x38;
	[tilespmem:$0xA748] =	vst v63  }
0x156: {  	s14 =	sand.u32 $0x1FFFFFF0, s11;
	s16 =	simm.s32 $0x2DC8;
	s15 =	spop (v2sf)  }
0x157: {  	[tilespmem:s0], [sflag:$0x9] =	stream.linear.gather [hbm4b:s13+s17], $0x20, $0x38;
	[tilespmem:$0xA748] =	vst v63  }
0x158: {  	s19 =	sadd.s32 s8, s14;
	s20 =	sand.u32 $0x1FFFFFF0, s15;
	s21 =	spop (v2sf)  }
0x159: {  	[tilespmem:s16], [sflag:$0x9] =	stream.linear.gather [hbm4b:s19+s17], $0x20, $0x38;
	[tilespmem:$0xA748] =	vst v63  }
0x15a: {  	s31 =	simm.s32 $0x2E48;
	s26 =	sadd.s32 s8, s20;
	s0 =	sand.u32 $0x1FFFFFF0, s21  }
0x15b: {  	[tilespmem:s31], [sflag:$0x9] =	stream.linear.gather [hbm4b:s26+s17], $0x20, $0x38;
	[tilespmem:$0xA748] =	vst v63  }
0x15c: {  	s29 =	simm.s32 $0x36C8;
	s0 =	sadd.s32 s8, s0;
	s26 =	simm.s32 $0x0  }
.LBB2_5:
0x15d: {  	[tilespmem:s28], [sflag:$0x9] =	stream.linear.gather [hbm4b:s0+s17], $0x20, $0x38;
	[tilespmem:$0xA748] =	vst v63  }
0x15e: {  	s26 =	sadd.s32 $0x10, s26;
	s28 =	smov.u32 s29  }
0x15f: {  	p0 =	slt.u32 s26, $0x70;
	v1 =	vld.msk [tilespmem:s30+$0x0], $0xffff;
	_ =	sdelay $0x4  }
0x160: {  	v1 =	vshll.u32 v1, $0x4  }
0x161: {  	(v2sf) =	vpush v1, $0x0  }
0x162: {  	(v2sf) =	vpush v1, $0x1  }
0x163: {  	(v2sf) =	vpush v1, $0x2;
	_ =	sdelay $0x1  }
0x164: {  	(v2sf) =	vpush v1, $0x3;
	_ =	sdelay $0x1  }
0x165: {  	(v2sf) =	vpush v1, $0x4;
	_ =	sdelay $0x1  }
0x166: {  	(v2sf) =	vpush v1, $0x5;
	_ =	sdelay $0x1  }
0x167: {  	(v2sf) =	vpush v1, $0x6  }
0x168: {  	s0 =	sadd.s32 $0xFFFFFE80, s29;
	s31 =	sadd.s32 $0xFFFFFF00, s29  }
0x169: {  	s5 =	sadd.s32 $0xFFFFFD00, s29;
	s3 =	sadd.s32 $0xFFFFFD80, s29;
	s2 =	sadd.s32 $0xFFFFFE00, s29;
	(v2sf) =	vpush v1, $0x7  }
0x16a: {  	s19 =	sadd.s32 $0xFFFFFB80, s29;
	s21 =	sadd.s32 $0xFFFFFC00, s29;
	s4 =	sadd.s32 $0xFFFFFC80, s29  }
0x16b: {  	s7 =	sadd.s32 $0xFFFFFA00, s29;
	s9 =	sadd.s32 $0xFFFFFA80, s29;
	s14 =	sadd.s32 $0xFFFFFB00, s29;
	(v2sf) =	vpush v1, $0x8  }
0x16c: {  	s16 =	sadd.s32 $0xFFFFF900, s29;
	s11 =	sadd.s32 $0xFFFFF980, s29;
	s13 =	spop (v2sf)  }
0x16d: {  	s20 =	sadd.s32 $0xFFFFF880, s29;
	s13 =	sand.u32 $0x1FFFFFF0, s13;
	s10 =	spop (v2sf);
	(v2sf) =	vpush v1, $0x9  }
0x16e: {  	s13 =	sadd.s32 s8, s13;
	s10 =	sand.u32 $0x1FFFFFF0, s10;
	s15 =	spop (v2sf)  }
0x16f: {  	[tilespmem:s20], [sflag:$0x9] =	stream.linear.gather [hbm4b:s13+s17], $0x20, $0x38;
	(v2sf) =	vpush v1, $0xA;
	[tilespmem:$0xA748] =	vst v63  }
0x170: {  	s10 =	sadd.s32 s8, s10;
	s13 =	sand.u32 $0x1FFFFFF0, s15;
	s15 =	spop (v2sf)  }
0x171: {  	[tilespmem:s16], [sflag:$0x9] =	stream.linear.gather [hbm4b:s10+s17], $0x20, $0x38;
	(v2sf) =	vpush v1, $0xB;
	[tilespmem:$0xA748] =	vst v63  }
0x172: {  	s10 =	sadd.s32 s8, s13;
	s13 =	sand.u32 $0x1FFFFFF0, s15;
	s15 =	spop (v2sf)  }
0x173: {  	[tilespmem:s11], [sflag:$0x9] =	stream.linear.gather [hbm4b:s10+s17], $0x20, $0x38;
	(v2sf) =	vpush v1, $0xC;
	[tilespmem:$0xA748] =	vst v63  }
0x174: {  	s10 =	sadd.s32 s8, s13;
	s11 =	sand.u32 $0x1FFFFFF0, s15;
	s13 =	spop (v2sf)  }
0x175: {  	[tilespmem:s7], [sflag:$0x9] =	stream.linear.gather [hbm4b:s10+s17], $0x20, $0x38;
	(v2sf) =	vpush v1, $0xD;
	[tilespmem:$0xA748] =	vst v63  }
0x176: {  	s7 =	sadd.s32 s8, s11;
	s10 =	sand.u32 $0x1FFFFFF0, s13;
	s11 =	spop (v2sf)  }
0x177: {  	[tilespmem:s9], [sflag:$0x9] =	stream.linear.gather [hbm4b:s7+s17], $0x20, $0x38;
	(v2sf) =	vpush v1, $0xE;
	[tilespmem:$0xA748] =	vst v63  }
0x178: {  	s7 =	sadd.s32 s8, s10;
	s9 =	sand.u32 $0x1FFFFFF0, s11;
	s10 =	spop (v2sf)  }
0x179: {  	[tilespmem:s14], [sflag:$0x9] =	stream.linear.gather [hbm4b:s7+s17], $0x20, $0x38;
	(v2sf) =	vpush v1, $0xF;
	[tilespmem:$0xA748] =	vst v63  }
0x17a: {  	s7 =	sadd.s32 s8, s9;
	s9 =	sand.u32 $0x1FFFFFF0, s10;
	s10 =	spop (v2sf)  }
0x17b: {  	[tilespmem:s19], [sflag:$0x9] =	stream.linear.gather [hbm4b:s7+s17], $0x20, $0x38;
	[tilespmem:$0xA748] =	vst v63  }
0x17c: {  	s7 =	sadd.s32 s8, s9;
	s9 =	sand.u32 $0x1FFFFFF0, s10;
	s10 =	spop (v2sf)  }
0x17d: {  	[tilespmem:s21], [sflag:$0x9] =	stream.linear.gather [hbm4b:s7+s17], $0x20, $0x38;
	[tilespmem:$0xA748] =	vst v63  }
0x17e: {  	s7 =	sadd.s32 s8, s9;
	s9 =	sand.u32 $0x1FFFFFF0, s10;
	s10 =	spop (v2sf)  }
0x17f: {  	[tilespmem:s4], [sflag:$0x9] =	stream.linear.gather [hbm4b:s7+s17], $0x20, $0x38;
	[tilespmem:$0xA748] =	vst v63  }
0x180: {  	s4 =	sadd.s32 s8, s9;
	s7 =	sand.u32 $0x1FFFFFF0, s10;
	s9 =	spop (v2sf)  }
0x181: {  	[tilespmem:s5], [sflag:$0x9] =	stream.linear.gather [hbm4b:s4+s17], $0x20, $0x38;
	[tilespmem:$0xA748] =	vst v63  }
0x182: {  	s4 =	sadd.s32 s8, s7;
	s5 =	sand.u32 $0x1FFFFFF0, s9;
	s7 =	spop (v2sf)  }
0x183: {  	[tilespmem:s3], [sflag:$0x9] =	stream.linear.gather [hbm4b:s4+s17], $0x20, $0x38;
	[tilespmem:$0xA748] =	vst v63  }
0x184: {  	s3 =	sadd.s32 s8, s5;
	s4 =	sand.u32 $0x1FFFFFF0, s7;
	s5 =	spop (v2sf)  }
0x185: {  	[tilespmem:s2], [sflag:$0x9] =	stream.linear.gather [hbm4b:s3+s17], $0x20, $0x38;
	[tilespmem:$0xA748] =	vst v63  }
0x186: {  	s2 =	sadd.s32 s8, s4;
	s3 =	sand.u32 $0x1FFFFFF0, s5;
	s4 =	spop (v2sf)  }
0x187: {  	[tilespmem:s0], [sflag:$0x9] =	stream.linear.gather [hbm4b:s2+s17], $0x20, $0x38;
	[tilespmem:$0xA748] =	vst v63  }
0x188: {  	s0 =	sadd.s32 s8, s3  }
.Ltmp4:
0x189: {  	s2 =	sand.u32 $0x1FFFFFF0, s4;
	s3 =	spop (v2sf);
	(pc) =	sbr.rel @p0 .LBB2_5-.Ltmp4, $4  }
0x18a: {  	[tilespmem:s31], [sflag:$0x9] =	stream.linear.gather [hbm4b:s0+s17], $0x20, $0x38;
	[tilespmem:$0xA748] =	vst v63  }
0x18b: {  	s0 =	sadd.s32 s8, s2;
	s2 =	sadd.s32 $0xFFFFFF80, s29;
	s3 =	sand.u32 $0x1FFFFFF0, s3  }
0x18c: {  	[tilespmem:s2], [sflag:$0x9] =	stream.linear.gather [hbm4b:s0+s17], $0x20, $0x38;
	[tilespmem:$0xA748] =	vst v63  }
0x18d: {  	s30 =	sadd.s32 $0x10, s30;
	s29 =	sadd.s32 $0x800, s29;
	s0 =	sadd.s32 s8, s3  }
0x18e: {  	[tilespmem:s28], [sflag:$0x9] =	stream.linear.gather [hbm4b:s0+s17], $0x20, $0x38;
	[tilespmem:$0xA748] =	vst v63  }
0x18f: {  	s10 =	rddreg [dreg:$0x6]  }
0x190: {  	s11 =	rddreg [dreg:$0x8];
	s13 =	simm.s32 $0xC  }
.LBB2_7:
0x191: {  	p0 =	sne.s32 s22, $0x2  }
.Ltmp5:
0x192: {  	_ = 	snop;
	(pc) =	sbr.rel @p0 .LBB2_25-.Ltmp5, $1  }
0x193: {  	_ =	sdelay $0x3  }
0x194: {  	p0 =	sgt.s32 s25, $0x780;
	s0 =	smov.u32 s25;
	s2 =	sshra.s32 s25, $0x1F  }
0x195: {  	s0 =	simm.s32 @!p0 $0x780;
	s2 =	sand.u32 s2, s25  }
0x196: {  	s0 =	ssub.s32 s0, s2  }
0x197: {  	s0 =	sadd.s32 $0xFFFFF880, s0  }
0x198: {  	s3 =	simm.s32 $0x9;
	s30 =	sshll.u32 s0, $0x2  }
0x199: {  	_ =	swait.ge [sflag:s3], $0x1000;
	s2 =	ssub.s32 $0x200, s30  }
0x19a: {  	[sflag:s3] =	ssyncset.done $0x0;
	p0 =	sgt.s32 s0, $0x7F;
	s0 =	sshrl.u32 s2, $0x2  }
0x19b: {  	s31 =	simm.s32 $0xB;
	[sflag:s3] =	ssyncadd.s32 $0xFFFFF000;
	s0 =	simm.s32 @p0 $0x0  }
0x19c: {  	_ =	swait.ge [sflag:s31], s0  }
0x19d: {  	s0 =	ssub.s32 $0x0, s0;
	[sflag:s31] =	ssyncset.done $0x0  }
0x19e: {  	[sflag:s31] =	ssyncadd.s32 s0  }
0x19f: {  	v1 =	vld [tilespmem:$0x2088];
	_ =	sdelay $0x4  }
0x1a0: {  	(v2sf) =	vpush v1, $0x0  }
0x1a1: {  	(v2sf) =	vpush v1, $0x1  }
0x1a2: {  	(v2sf) =	vpush v1, $0x2;
	_ =	sdelay $0x3  }
0x1a3: {  	s0 =	sadd.s32 $0x80, s25  }
0x1a4: {  	s2 =	ssub.s32 $0x1000, s25;
	p0 =	slt.s32 s12, s0  }
0x1a5: {  	s0 =	smov.u32 @p0 s12;
	p0 =	sgt.s32 s2, $0x0  }
0x1a6: {  	s26 =	ssub.s32 s0, s25;
	s2 =	simm.s32 @!p0 $0x0  }
0x1a7: {  	p0 =	slt.s32 s2, s26  }
0x1a8: {  	s26 =	smov.u32 @p0 s2  }
0x1a9: {  	p0 =	slt.s32 s26, $0x1  }
.Ltmp6:
0x1aa: {  	_ = 	snop;
	(pc) =	sbr.rel @p0 .LBB2_12-.Ltmp6, $4  }
0x1ab: {  	_ = 	snop  }
0x1ac: {  	s0 =	spop (v2sf)  }
0x1ad: {  	s2 =	spop (v2sf)  }
0x1ae: {  	s25 =	spop (v2sf)  }
0x1af: {  	s3 =	smin.u32 s26, $0x10  }
0x1b0: {  	v1 =	vmov s3  }
0x1b1: {  	p1 =	sgt.s32 s26, $0x10;
	vm1 =	vgt.u32 v1, v0  }
.Ltmp7:
0x1b2: {  	_ = 	snop;
	(pc) =	sbr.rel @!p1 .LBB2_11-.Ltmp7, $2  }
0x1b3: {  	_ =	sdelay $0x2  }
0x1b4: {  	s4 =	simm.s32 $0x10;
	s5 =	sadd.s32 $0xFFFFFFF0, s26;
	s3 =	simm.s32 $0x2648;
	vm0 =	vmmov vm1  }
.LBB2_10:
0x1b5: {  	s7 =	smin.u32 s5, $0x10;
	s4 =	sadd.s32 $0x10, s4;
	v1 =	vld.msk [tilespmem:s3+$0x0 ss:$0x1], vm1  }
0x1b6: {  	v2 =	vmov s7;
	p1 =	slt.s32 s4, s26  }
0x1b7: {  	vm1 =	vgt.u32 v2, v0  }
.Ltmp8:
0x1b8: {  	(pc) =	sbr.rel @p1 .LBB2_10-.Ltmp8, $3  }
0x1b9: {  	_ =	sdelay $0x1  }
0x1ba: {  	v1 =	vshll.u32 v1, $0x4  }
0x1bb: {  	s5 =	sadd.s32 $0xFFFFFFF0, s5;
	[tilespmem:s3+$0x0] =	vst.msk vm0, v1;
	s3 =	sadd.s32 $0x10, s3;
	vm0 =	vmmov vm1  }
.LBB2_11:
0x1bc: {  	_ =	sdelay $0x4  }
0x1bd: {  	v1 =	vld.msk [tilespmem:s3+$0x0 ss:$0x1], vm1;
	_ =	sdelay $0x4  }
0x1be: {  	v1 =	vshll.u32 v1, $0x4  }
0x1bf: {  	[tilespmem:s3+$0x0] =	vst.msk vm0, v1  }
.LBB2_12:
0x1c0: {  	p1 =	sne.s32 s2, $0xFFFFFFFF  }
0x1c1: {  	v1 =	vld.msk @!p1 [tilespmem:$0x2648], $0x1;
	_ =	sdelay $0x4  }
0x1c2: {  	(v2sf) =	vpush @!p1 v1, $0x0;
	_ =	sdelay $0xa  }
0x1c3: {  	v2 =	vld @!p1 [tilespmem:$0x2758]  }
0x1c4: {  	v1 =	vld @!p1 [tilespmem:$0x2748]  }
.Ltmp9:
0x1c5: {  	_ = 	snop;
	(pc) =	sbr.rel @p0 .LBB2_23-.Ltmp9, $4  }
0x1c6: {  	_ = 	snop  }
0x1c7: {  	s31 =	spop @!p1 (v2sf)  }
0x1c8: {  	s25 =	simm.s32 @!p1 $0x0;
	[tilespmem:$0x58] =	vst @!p1 v2;
	s28 =	smov.u32 s31  }
0x1c9: {  	[tilespmem:$0x48] =	vst @!p1 v1;
	[sflag:s13] =	ssyncpa.u1 $0x0;
	s31 =	smov.u32 @p1 s0;
	s28 =	smov.u32 @p1 s2  }
0x1ca: {  	s29 =	simm.s32 $0x2648  }
0x1cb: {  	v1 =	vld.msk [tilespmem:s29+$0x0], $0x1;
	_ =	sdelay $0x4  }
0x1cc: {  	(v2sf) =	vpush v1, $0x0;
	_ =	sdelay $0xe  }
0x1cd: {  	s3 =	spop (v2sf)  }
0x1ce: {  	p0 =	seq.s32 s31, s3  }
0x1cf: {  	p1 =	sgt.s32 @!p0 s31, $0x0  }
0x1d0: {  	s2 =	smov.u32 s31;
	s0 =	sadd.s32 $0xFFFFFFFF, s26;
	p1 =	por !p1, p0  }
0x1d1: {  	s2 =	simm.s32 @p1 $0x0;
	p1 =	sne.s32 s0, $0x0  }
.Ltmp10:
0x1d2: {  	_ = 	snop;
	(pc) =	sbr.rel @!p1 .LBB2_15-.Ltmp10, $4  }
0x1d3: {  	_ = 	snop  }
0x1d4: {  	s30 =	simm.s32 $0x0;
	s4 =	simm.s32 @!p0 $0x1;
	s2 =	smin.u32 @!p0 s2, $0xC  }
0x1d5: {  	s5 =	simm.s32 @!p0 $0x1068;
	s4 =	smov.u32 @p0 s30;
	s7 =	sand.u32 @!p0 $0x8, s2  }
0x1d6: {  	s19 =	sand.u32 @!p0 $0x7, s2;
	s2 =	simm.s32 $0x2649;
	s21 =	sadd.s32 @!p0 s1, s7  }
.LBB2_14:
0x1d7: {  	s7 =	smov.u32 s4  }
0x1d8: {  	[tilespmem:s5], [sflag:$0x2] =	stream.linear.gather @!p0 [hbm4b:s21+s19], $0x20, $0x38;
	[tilespmem:$0xA748] =	vst v63  }
0x1d9: {  	s0 =	sadd.s32 $0xFFFFFFFF, s0;
	s9 =	smov.u32 s3;
	v1 =	vld.msk [tilespmem:s2+$0x0], $0x1  }
0x1da: {  	p1 =	sne.s32 s0, $0x0;
	_ =	sdelay $0x3  }
0x1db: {  	(v2sf) =	vpush v1, $0x0;
	_ =	sdelay $0xe  }
0x1dc: {  	s3 =	spop (v2sf)  }
0x1dd: {  	p0 =	seq.s32 s9, s3  }
0x1de: {  	p2 =	sgt.s32 @!p0 s9, $0x0;
	s5 =	sshll.u32 @!p0 s4, $0x7;
	s4 =	sadd.s32 @!p0 $0x1, s4  }
.Ltmp11:
0x1df: {  	p2 =	por !p2, p0;
	s5 =	sshra.s32 @!p0 s5, $0x2;
	(pc) =	sbr.rel @p1 .LBB2_14-.Ltmp11, $4  }
0x1e0: {  	s4 =	smov.u32 @p0 s7;
	s9 =	simm.s32 @p2 $0x0;
	s5 =	sadd.s32 @!p0 $0x1068, s5  }
0x1e1: {  	s7 =	smin.u32 @!p0 s9, $0xC  }
0x1e2: {  	s9 =	sand.u32 @!p0 $0x8, s7;
	s19 =	sand.u32 @!p0 $0x7, s7  }
0x1e3: {  	s2 =	sadd.s32 $0x1, s2;
	s21 =	sadd.s32 @!p0 s1, s9  }
.LBB2_15:
0x1e4: {  	[tilespmem:s5], [sflag:$0x2] =	stream.linear.gather @!p0 [hbm4b:s21+s19], $0x20, $0x38;
	[tilespmem:$0xA748] =	vst v63  }
.Ltmp12:
0x1e5: {  	s0 =	sshll.u32 s4, $0x5;
	(pc) =	sbr.rel .LBB2_16-.Ltmp12, $4  }
0x1e6: {  	s2 =	simm.s32 $0x2;
	s0 =	sand.u32 $0x3FFFFFE0, s0  }
0x1e7: {  	_ =	swait.ge [sflag:s2], s0  }
0x1e8: {  	s0 =	ssub.s32 $0x0, s0;
	[sflag:s2] =	ssyncset.done $0x0  }
0x1e9: {  	s3 =	simm.s32 $0x2758;
	[sflag:s2] =	ssyncadd.s32 s0;
	s2 =	simm.s32 $0x0  }
.LBB2_17:
0x1ea: {  	v1 =	vld [tilespmem:s3+$0xFFFFFFF0]  }
0x1eb: {  	v2 =	vld [tilespmem:s4+$0x48];
	_ =	sdelay $0x4  }
0x1ec: {  	v1 =	vmax.f32 v1, v2  }
0x1ed: {  	v2 =	vld [tilespmem:s4+$0x58];
	[tilespmem:s4+$0x48] =	vst v1  }
0x1ee: {  	v1 =	vld [tilespmem:s3+$0x0];
	_ =	sdelay $0x4  }
0x1ef: {  	v1 =	vmax.f32 v1, v2  }
0x1f0: {  	[tilespmem:s4+$0x58] =	vst v1  }
.LBB2_21:
0x1f1: {  	s26 =	sadd.s32 $0xFFFFFFFF, s26  }
0x1f2: {  	p0 =	sne.s32 s26, $0x0  }
.Ltmp13:
0x1f3: {  	_ = 	snop;
	(pc) =	sbr.rel @!p0 .LBB2_22-.Ltmp13, $2  }
0x1f4: {  	_ =	sdelay $0x2  }
0x1f5: {  	s3 =	sadd.s32 $0x80, s3;
	s29 =	sadd.s32 $0x1, s29;
	s31 =	smov.u32 s0  }
.LBB2_16:
0x1f6: {  	v1 =	vld.msk [tilespmem:s29+$0x0], $0x1;
	_ =	sdelay $0x4  }
0x1f7: {  	(v2sf) =	vpush v1, $0x0;
	_ =	sdelay $0xe  }
0x1f8: {  	s0 =	spop (v2sf)  }
0x1f9: {  	p0 =	sne.s32 s31, s0  }
.Ltmp14:
0x1fa: {  	_ = 	snop;
	(pc) =	sbr.rel @!p0 .LBB2_17-.Ltmp14, $3  }
0x1fb: {  	_ =	sdelay $0x1  }
0x1fc: {  	s4 =	sshll.u32 s25, $0x7  }
0x1fd: {  	s4 =	sshra.s32 s4, $0x2  }
0x1fe: {  	p0 =	seq.s32 s31, s28  }
.Ltmp15:
0x1ff: {  	_ = 	snop;
	(pc) =	sbr.rel @!p0 .LBB2_19-.Ltmp15, $1  }
0x200: {  	_ =	sdelay $0x3  }
.Ltmp16:
0x201: {  	s4 =	sadd.s32 $0x48, s4;
	(pc) =	sbr.rel .LBB2_20-.Ltmp16, $4  }
0x202: {  	[spmem:s11] =	stream.linear.scatter [tilespmem:s4], [sflag:$0x1], $0x20, $0x38;
	[tilespmem:$0xA748] =	vst v63  }
0x203: {  	_ =	swait.ge [sflag:s6], $0x20  }
0x204: {  	[sflag:s6] =	ssyncset.done $0x0  }
0x205: {  	[sflag:s6] =	ssyncadd.s32 $0xFFFFFFE0  }
.LBB2_19:
0x206: {  	s5 =	sshll.u32 s30, $0x7  }
0x207: {  	v2 =	vld [tilespmem:s4+$0x48];
	s5 =	sshra.s32 s5, $0x2  }
0x208: {  	v1 =	vld [tilespmem:s5+$0x1068];
	_ =	sdelay $0x4  }
0x209: {  	v1 =	vmax.f32 v1, v2  }
0x20a: {  	v2 =	vld [tilespmem:s4+$0x58];
	[tilespmem:s4+$0x48] =	vst v1  }
0x20b: {  	v1 =	vld [tilespmem:s5+$0x1078];
	_ =	sdelay $0x3  }
0x20c: {  	p0 =	sgt.u32 s31, $0xC  }
0x20d: {  	s5 =	sand.u32 @!p0 $0x8, s31;
	v1 =	vmax.f32 v1, v2  }
0x20e: {  	s7 =	sadd.s32 $0x48, s4;
	[tilespmem:s4+$0x58] =	vst v1;
	s4 =	sadd.s32 @!p0 s1, s5;
	s5 =	sand.u32 @!p0 $0x7, s31  }
0x20f: {  	[hbm4b:s4+s5] =	stream.linear.scatter @!p0 [tilespmem:s7], [sflag:$0xC], $0x20, $0x38;
	[tilespmem:$0xA748] =	vst v63  }
0x210: {  	s4 =	simm.s32 $0x0  }
0x211: {  	s4 =	simm.s32 @!p0 $0x80  }
0x212: {  	s2 =	sadd.s32 s4, s2  }
.LBB2_20:
0x213: {  	v1 =	vld [tilespmem:s3+$0xFFFFFFF0];
	_ =	sdelay $0x1  }
0x214: {  	s4 =	sadd.s32 $0x1, s25  }
0x215: {  	s25 =	sand.u32 $0x7F, s4  }
0x216: {  	s4 =	sshll.u32 s25, $0x5  }
0x217: {  	[tilespmem:s4+$0x48] =	vst v1  }
0x218: {  	v1 =	vld [tilespmem:s3+$0x0]  }
.Ltmp17:
0x219: {  	_ = 	snop;
	(pc) =	sbr.rel .LBB2_21-.Ltmp17, $2  }
0x21a: {  	_ =	sdelay $0x2  }
0x21b: {  	s30 =	sadd.s32 $0x1, s30;
	[tilespmem:s4+$0x58] =	vst v1  }
.LBB2_22:
.Ltmp18:
0x21c: {  	(pc) =	sbr.rel .LBB2_24-.Ltmp18, $2  }
0x21d: {  	_ =	sdelay $0x2  }
0x21e: {  	s2 =	sshrl.u32 s2, $0x2  }
.LBB2_23:
0x21f: {  	s0 =	simm.s32 $0x2  }
0x220: {  	_ =	swait.ge [sflag:s0], $0x0  }
0x221: {  	s2 =	simm.s32 $0x0;
	[sflag:s0] =	ssyncset.done $0x0;
	s0 =	smov.u32 s31  }
.LBB2_24:
.Ltmp19:
0x222: {  	_ =	swait.ge [sflag:s13], s2;
	(pc) =	sbr.rel .LBB2_25-.Ltmp19, $4  }
0x223: {  	s31 =	ssub.s32 $0x0, s2;
	v1 =	vmov s28;
	vm0 =	veq.s32 v0, $0x0;
	[sflag:s13] =	ssyncset.done $0x0  }
0x224: {  	vm15 =	veq.s32 v0, $0x2;
	v1 =	vsel vm0, s0, v1;
	[sflag:s13] =	ssyncadd.s32 s31  }
0x225: {  	v1 =	vsel vm15, s25, v1;
	[sflag:s13] =	ssyncpa.u1 $0x1  }
0x226: {  	[tilespmem:$0x2088] =	vst v1  }
.LBB2_26:
0x227: {  	_ =	sfence.sel $0x180000  }
0x228: {  	s0 =	simm.s32 $0x9;
	[bflag:$0x0] =	sbarrier.arrive $0xFFFF  }
0x229: {  	s24 =	simm.s32 $0xA;
	[sflag:s0] =	ssyncpa.u1 $0x1  }
0x22a: {  	s25 =	simm.s32 $0xB;
	[sflag:s24] =	ssyncpa.u1 $0x1  }
0x22b: {  	s26 =	simm.s32 $0x2;
	[sflag:s25] =	ssyncpa.u1 $0x1  }
0x22c: {  	[sflag:s26] =	ssyncpa.u1 $0x1  }
0x22d: {  	v0 =	vld [tilespmem:$0x2088];
	_ =	sdelay $0x4  }
0x22e: {  	(v2sf) =	vpush v0, $0x0  }
0x22f: {  	(v2sf) =	vpush v0, $0x1;
	_ =	sdelay $0x1  }
0x230: {  	(v2sf) =	vpush v0, $0x2;
	_ =	sdelay $0xb  }
0x231: {  	s0 =	spop (v2sf)  }
0x232: {  	s2 =	spop (v2sf)  }
0x233: {  	s3 =	smov.u32 s0;
	p0 =	sne.s32 s0, s2  }
0x234: {  	s4 =	spop (v2sf);
	s3 =	simm.s32 @!p0 $0xFFFFFFFF  }
0x235: {  	v2 =	vimm.s32 $0x1;
	v3 =	vlaneseq.u32;
	p0 =	seq.s32 s4, $0xFFFFFFFF;
	v1 =	vmov s3  }
0x236: {  	s14 =	stileid.u32;
	v0 =	vperm.xlane v0, v2;
	p1 =	sne.s32 @!p0 s0, s2;
	v1 =	vperm.xlane v1, v3  }
0x237: {  	vm0 =	vcmask $0x3F04;
	s6 =	simm.s32 $0x2088;
	s0 =	simm.s32 @!p0 $0x1;
	p1 =	por !p1, p0  }
0x238: {  	s3 =	sshll.u32 s14, $0x1;
	s2 =	sshll.u32 @!p0 s4, $0x7;
	s0 =	simm.s32 @p1 $0x0;
	v0 =	vsel vm0, v1, v0  }
0x239: {  	s5 =	sor.u32 $0x400, s3;
	s2 =	sshra.s32 @!p0 s2, $0x2;
	s0 =	sor.u32 @!p0 s0, s3;
	[tilespmem:$0x2088] =	vst v0  }
0x23a: {  	[spmem:s5] =	stream.linear.scatter [tilespmem:s6], [sflag:$0x1], $0x2, $0x38;
	[tilespmem:$0xA748] =	vst v63  }
0x23b: {  	s2 =	sadd.s32 @!p0 $0x48, s2;
	s0 =	sshll.u32 @!p0 s0, $0x5  }
0x23c: {  	[spmem:s0] =	stream.linear.scatter @!p0 [tilespmem:s2], [sflag:$0x1], $0x20, $0x38;
	[tilespmem:$0xA748] =	vst v63  }
0x23d: {  	s0 =	simm.s32 @!p0 $0x22  }
0x23e: {  	s28 =	simm.s32 $0x1;
	s0 =	simm.s32 @p0 $0x2  }
0x23f: {  	_ =	swait.ge [sflag:s28], s0  }
0x240: {  	s0 =	ssub.s32 $0x0, s0;
	[sflag:s28] =	ssyncset.done $0x0  }
0x241: {  	p0 =	sne.s32 s14, $0x0;
	[sflag:s28] =	ssyncadd.s32 s0  }
.Ltmp20:
0x242: {  	_ =	sfence.stream.spmem;
	(pc) =	sbr.rel @p0 .LBB2_43-.Ltmp20, $4  }
0x243: {  	s29 =	simm.s32 $0x3;
	[bflag:$0x0] =	sbarrier.arrive $0xFFFF  }
0x244: {  	s30 =	simm.s32 $0x4;
	[sflag:s29] =	ssyncpa.u1 $0x1  }
0x245: {  	s31 =	simm.s32 $0x3C;
	[sflag:s30] =	ssyncpa.u1 $0x1  }
0x246: {  	s13 =	rddreg [dreg:$0x5];
	[sflag:s31] =	ssyncpa.u1 $0x1  }
0x247: {  	_ =	sfence.stream.spmem;
	s0 =	simm.s32 $0x5  }
0x248: {  	s2 =	simm.s32 $0x400;
	s3 =	simm.s32 $0x2098;
	[sflag:s0] =	ssyncpa.u1 $0x0  }
0x249: {  	[tilespmem:s3], [sflag:$0x5] =	stream.linear.gather [spmem:s2], $0x20, $0x38;
	[tilespmem:$0xA748] =	vst v63  }
0x24a: {  	s26 =	simm.s32 $0x0;
	s28 =	simm.s32 $0x20B8  }
0x24b: {  	[tilespmem:s28], [sflag:$0x5] =	stream.linear.gather [spmem:s26], $0x400, $0x38;
	[tilespmem:$0xA748] =	vst v63  }
0x24c: {  	_ =	swait.ge [sflag:s0], $0x420  }
0x24d: {  	[sflag:s0] =	ssyncset.done $0x0  }
0x24e: {  	s29 =	simm.s32 $0x0;
	[sflag:s0] =	ssyncadd.s32 $0xFFFFFBE0  }
0x24f: {  	v0 =	vld.msk [tilespmem:s29+$0x2098], $0x1;
	_ =	sdelay $0x1  }
0x250: {  	s30 =	simm.s32 $0x1  }
0x251: {  	v1 =	vld.msk [tilespmem:s30+$0x2098], $0x1;
	_ =	sdelay $0x1  }
0x252: {  	(v2sf) =	vpush v0, $0x0;
	_ =	sdelay $0x2  }
0x253: {  	(v2sf) =	vpush v1, $0x0;
	_ =	sdelay $0x2  }
0x254: {  	s31 =	simm.s32 $0x2  }
0x255: {  	v0 =	vld.msk [tilespmem:s31+$0x2098], $0x1;
	_ =	sdelay $0x2  }
0x256: {  	s2 =	simm.s32 $0xFFFFFFFF;
	s3 =	simm.s32 $0xFFFFFFFF;
	s0 =	simm.s32 $0xC  }
.LBB2_28:
0x257: {  	s4 =	smov.u32 s3;
	s5 =	smov.u32 s2  }
0x258: {  	s2 =	sshra.s32 s0, $0x2;
	p1 =	sne.s32 s0, $0x7C;
	s0 =	sadd.s32 $0x4, s0;
	(v2sf) =	vpush v0, $0x0  }
0x259: {  	v0 =	vld.msk [tilespmem:s2+$0x2098], $0x1  }
.Ltmp21:
0x25a: {  	(pc) =	sbr.rel @p1 .LBB2_28-.Ltmp21, $4  }
0x25b: {  	s3 =	spop (v2sf)  }
0x25c: {  	p2 =	sne.s32 s5, $0xFFFFFFFF;
	s2 =	smov.u32 s3  }
0x25d: {  	p3 =	seq.s32 s3, $0xFFFFFFFF;
	s2 =	smov.u32 @p2 s5  }
0x25e: {  	s3 =	smov.u32 @p3 s4;
	s2 =	smov.u32 @p3 s5  }
0x25f: {  	(v2sf) =	vpush v0, $0x0;
	_ =	sdelay $0x8  }
0x260: {  	s0 =	spop (v2sf)  }
0x261: {  	p1 =	sne.s32 s2, $0xFFFFFFFF;
	s4 =	smov.u32 s0  }
0x262: {  	s9 =	simm.s32 $0x6;
	p2 =	seq.s32 s0, $0xFFFFFFFF;
	s4 =	smov.u32 @p1 s2  }
0x263: {  	s6 =	simm.s32 $0x0;
	s4 =	smov.u32 @p2 s2;
	s2 =	spop (v2sf)  }
0x264: {  	s0 =	smov.u32 @p2 s3;
	p1 =	sne.s32 s4, $0xFFFFFFFF;
	s5 =	smov.u32 s2  }
.Ltmp22:
0x265: {  	p2 =	seq.s32 s2, $0xFFFFFFFF;
	s5 =	smov.u32 @p1 s4;
	(pc) =	sbr.rel .LBB2_30-.Ltmp22, $4  }
0x266: {  	s10 =	simm.s32 $0x2068;
	s5 =	smov.u32 @p2 s4;
	s7 =	spop (v2sf)  }
0x267: {  	s11 =	simm.s32 $0x0;
	p1 =	sne.s32 s5, $0xFFFFFFFF;
	s8 =	smov.u32 s7  }
0x268: {  	s2 =	smov.u32 @p2 s0;
	p2 =	seq.s32 s7, $0xFFFFFFFF;
	s8 =	smov.u32 @p1 s5  }
0x269: {  	[sflag:s9] =	ssyncpa.u1 $0x0;
	s7 =	smov.u32 @p2 s2;
	s8 =	smov.u32 @p2 s5  }
.LBB2_36:
0x26a: {  	p1 =	sgt.u32 s0, $0xC  }
0x26b: {  	p2 =	seq.s32 @!p1 s0, s8  }
0x26c: {  	p1 =	por p1, p2  }
0x26d: {  	p2 =	sne.s32 @!p1 s0, s7  }
0x26e: {  	p1 =	por p1, !p2  }
0x26f: {  	s0 =	sshll.u32 @p1 s11, $0x7  }
0x270: {  	s2 =	sand.u32 @!p1 $0x8, s0  }
0x271: {  	s0 =	sand.u32 @!p1 $0x7, s0;
	s2 =	sadd.s32 @!p1 s1, s2  }
0x272: {  	[tilespmem:s10], [sflag:$0x6] =	stream.linear.gather @!p1 [hbm4b:s2+s0], $0x20, $0x38;
	[tilespmem:$0xA748] =	vst v63  }
0x273: {  	_ =	swait.ge @!p1 [sflag:s9], $0x20  }
0x274: {  	[sflag:s9] =	ssyncset.done @!p1 $0x0  }
0x275: {  	s0 =	sshll.u32 @!p1 s11, $0x7;
	[sflag:s9] =	ssyncadd.s32 @!p1 $0xFFFFFFE0  }
0x276: {  	s2 =	sshrl.u32 @!p1 s0, $0x2;
	v1 =	vld @!p1 [tilespmem:$0x2068]  }
0x277: {  	v2 =	vld @!p1 [tilespmem:s2+$0x20B8];
	_ =	sdelay $0x4  }
0x278: {  	v1 =	vmax.f32 @!p1 v1, v2  }
0x279: {  	v2 =	vld @!p1 [tilespmem:s2+$0x20C8];
	[tilespmem:s2+$0x20B8] =	vst @!p1 v1  }
0x27a: {  	v1 =	vld @!p1 [tilespmem:$0x2078];
	_ =	sdelay $0x4  }
0x27b: {  	v1 =	vmax.f32 @!p1 v1, v2  }
0x27c: {  	[tilespmem:s2+$0x20C8] =	vst @!p1 v1  }
0x27d: {  	s0 =	sshrl.u32 s0, $0x2;
	[tilespmem:s6+$0x2098] =	vst.msk $0x1, v0  }
0x27e: {  	v0 =	vld [tilespmem:s0+$0x20B8];
	_ =	sdelay $0x2  }
0x27f: {  	s31 =	sshll.u32 s6, $0x7  }
0x280: {  	s2 =	sshra.s32 s31, $0x2  }
0x281: {  	[tilespmem:s2+$0x20B8] =	vst v0  }
0x282: {  	v0 =	vld [tilespmem:s0+$0x20C8];
	_ =	sdelay $0x4  }
0x283: {  	s6 =	sadd.s32 $0x1, s6;
	[tilespmem:s2+$0x20C8] =	vst v0  }
.LBB2_37:
0x284: {  	s11 =	sadd.s32 $0x1, s11  }
0x285: {  	p1 =	sne.s32 s11, $0x20  }
.Ltmp23:
0x286: {  	_ = 	snop;
	(pc) =	sbr.rel @!p1 .LBB2_38-.Ltmp23, $1  }
0x287: {  	_ =	sdelay $0x3  }
.LBB2_30:
0x288: {  	v0 =	vld.msk [tilespmem:s11+$0x2098], $0x1;
	_ =	sdelay $0x4  }
0x289: {  	(v2sf) =	vpush v0, $0x0;
	_ =	sdelay $0xe  }
0x28a: {  	s0 =	spop (v2sf)  }
0x28b: {  	p1 =	seq.s32 s0, $0xFFFFFFFF  }
.Ltmp24:
0x28c: {  	_ = 	snop;
	(pc) =	sbr.rel @p1 .LBB2_37-.Ltmp24, $1  }
0x28d: {  	_ =	sdelay $0x3  }
0x28e: {  	p1 =	slt.s32 s6, $0x1  }
.Ltmp25:
0x28f: {  	_ = 	snop;
	(pc) =	sbr.rel @p1 .LBB2_36-.Ltmp25, $1  }
0x290: {  	_ =	sdelay $0x3  }
0x291: {  	s2 =	simm.s32 $0x2098;
	p1 =	por $0x0, $0x0  }
0x292: {  	v1 =	vld.msk @!p1 [tilespmem:s2+$0x0], $0x1;
	_ =	sdelay $0x4  }
0x293: {  	(v2sf) =	vpush @!p1 v1, $0x0;
	_ =	sdelay $0xd  }
0x294: {  	p3 =	sne.s32 s6, $0x1  }
.Ltmp26:
0x295: {  	s3 =	spop @!p1 (v2sf);
	(pc) =	sbr.rel @!p3 .LBB2_34-.Ltmp26, $4  }
0x296: {  	p2 =	seq.s32 @!p1 s0, s3  }
0x297: {  	s3 =	simm.s32 $0x0;
	p2 =	por !p2, p1  }
0x298: {  	s5 =	simm.s32 $0xFFFFFFFF;
	s3 =	simm.s32 @p2 $0xFFFFFFFF  }
0x299: {  	s4 =	simm.s32 $0x1;
	s3 =	smov.u32 @p1 s5  }
.LBB2_33:
0x29a: {  	s5 =	smov.u32 s3;
	p1 =	sne.s32 s3, $0xFFFFFFFF  }
0x29b: {  	s2 =	sadd.s32 $0x1, s2;
	s3 =	smov.u32 s4;
	s4 =	sadd.s32 $0x1, s4  }
0x29c: {  	p2 =	sne.s32 s6, s4;
	v1 =	vld.msk @!p1 [tilespmem:s2+$0x0], $0x1;
	_ =	sdelay $0x4  }
0x29d: {  	(v2sf) =	vpush @!p1 v1, $0x0;
	_ =	sdelay $0xe  }
.Ltmp27:
0x29e: {  	s12 =	spop @!p1 (v2sf);
	(pc) =	sbr.rel @p2 .LBB2_33-.Ltmp27, $4  }
0x29f: {  	p3 =	seq.s32 @!p1 s0, s12  }
0x2a0: {  	p3 =	por !p3, p1  }
0x2a1: {  	s3 =	simm.s32 @p3 $0xFFFFFFFF  }
0x2a2: {  	s3 =	smov.u32 @p1 s5  }
.LBB2_34:
0x2a3: {  	p1 =	seq.s32 s3, $0xFFFFFFFF  }
.Ltmp28:
0x2a4: {  	_ = 	snop;
	(pc) =	sbr.rel @p1 .LBB2_36-.Ltmp28, $1  }
0x2a5: {  	_ =	sdelay $0x3  }
0x2a6: {  	s0 =	sshll.u32 s11, $0x5  }
0x2a7: {  	s2 =	sshll.u32 s3, $0x7;
	s0 =	sand.u32 $0x3FFFFFE0, s0  }
0x2a8: {  	s2 =	sshra.s32 s2, $0x2;
	v0 =	vld [tilespmem:s0+$0x20B8]  }
0x2a9: {  	v1 =	vld [tilespmem:s2+$0x20B8];
	_ =	sdelay $0x4  }
0x2aa: {  	v0 =	vmax.f32 v0, v1  }
0x2ab: {  	v63 =	vld [tilespmem:s2+$0x20C8];
	[tilespmem:s2+$0x20B8] =	vst v0  }
0x2ac: {  	v0 =	vld [tilespmem:s0+$0x20C8];
	_ =	sdelay $0x1  }
.Ltmp29:
0x2ad: {  	_ = 	snop;
	(pc) =	sbr.rel .LBB2_37-.Ltmp29, $3  }
0x2ae: {  	_ =	sdelay $0x1  }
0x2af: {  	v0 =	vmax.f32 v0, v63  }
0x2b0: {  	[tilespmem:s2+$0x20C8] =	vst v0  }
.LBB2_38:
0x2b1: {  	s0 =	simm.s32 $0x6;
	p1 =	seq.s32 s6, $0x0  }
0x2b2: {  	[sflag:s0] =	ssyncpa.u1 $0x1;
	v0 =	vimm.s32 @p1 $0xFFFFFFFF  }
0x2b3: {  	s0 =	sadd.s32 $0xFFFFFFFF, s6;
	[tilespmem:$0x24B8] =	vst @p1 v0  }
0x2b4: {  	v0 =	vld.msk @!p1 [tilespmem:s0+$0x2098], $0x1;
	_ =	sdelay $0x1  }
0x2b5: {  	v1 =	vld.msk @!p1 [tilespmem:$0x2098], $0x1;
	_ =	sdelay $0x2  }
0x2b6: {  	p2 =	seq.s32 @!p1 s0, $0x0;
	v0 =	vbroadcast @!p1 v0, $0x0  }
0x2b7: {  	vm0 =	vmmov @!p1 $0x1;
	p2 =	por !p2, p1  }
0x2b8: {  	v1 =	vnsel @!p1 vm0, $0xFFFFFFFF, v1;
	vm0 =	vcmask @!p1 $0x308;
	v0 =	vpsel !p2, $0xFFFFFFFF, v0  }
0x2b9: {  	p2 =	sne.s32 @!p1 s8, s7;
	v0 =	vsel @!p1 vm0, v1, v0  }
0x2ba: {  	s2 =	simm.s32 @!p1 $0x20B8;
	s3 =	simm.s32 @!p1 $0x0;
	p3 =	por !p2, p1;
	[tilespmem:$0x24B8] =	vst @!p1 v0  }
0x2bb: {  	[spmem:s3] =	stream.linear.scatter @!p1 [tilespmem:s2], [sflag:$0x1], $0x20, $0x38;
	[tilespmem:$0xA748] =	vst v63  }
0x2bc: {  	s2 =	sshll.u32 @!p3 s0, $0x7  }
0x2bd: {  	s2 =	sshra.s32 @!p3 s2, $0x2  }
0x2be: {  	s3 =	simm.s32 @!p3 $0x20;
	s2 =	sadd.s32 @!p3 $0x20B8, s2  }
0x2bf: {  	[spmem:s3] =	stream.linear.scatter @!p3 [tilespmem:s2], [sflag:$0x1], $0x20, $0x38;
	[tilespmem:$0xA748] =	vst v63  }
0x2c0: {  	s2 =	simm.s32 @!p3 $0x1  }
0x2c1: {  	_ =	swait.ge @!p3 [sflag:s2], $0x40  }
0x2c2: {  	p1 =	por p2, p1;
	[sflag:s2] =	ssyncset.done @!p3 $0x0  }
0x2c3: {  	[sflag:s2] =	ssyncadd.s32 @!p3 $0xFFFFFFC0;
	s2 =	simm.s32 @!p1 $0x1  }
0x2c4: {  	_ =	swait.ge @!p1 [sflag:s2], $0x20  }
0x2c5: {  	s29 =	simm.s32 $0x24B8;
	[sflag:s2] =	ssyncset.done @!p1 $0x0  }
0x2c6: {  	s30 =	simm.s32 $0x400;
	s31 =	simm.s32 $0x1;
	[sflag:s2] =	ssyncadd.s32 @!p1 $0xFFFFFFE0  }
0x2c7: {  	[spmem:s30] =	stream.linear.scatter [tilespmem:s29], [sflag:$0x1], $0x10, $0x38;
	[tilespmem:$0xA748] =	vst v63  }
0x2c8: {  	_ =	swait.ge [sflag:s31], $0x10  }
0x2c9: {  	[sflag:s31] =	ssyncset.done $0x0  }
0x2ca: {  	p1 =	seq.s32 s13, $0x0;
	s9 =	rddreg [dreg:$0x2];
	[sflag:s31] =	ssyncadd.s32 $0xFFFFFFF0  }
0x2cb: {  	s3 =	sshll.u32 @p1 s9, $0xE;
	s8 =	rddreg [dreg:$0x3]  }
0x2cc: {  	s2 =	sadd.s32 @p1 $0x15C3C, s3;
	s3 =	sshll.u32 @p1 s8, $0x11  }
0x2cd: {  	_ =	sfence.stream.spmem;
	s2 =	sor.u32 @p1 s3, s2  }
0x2ce: {  	[sflag:s2] =	ssyncadd.remote.s32 @p1 $0x1;
	s2 =	simm.s32 @p1 $0x4  }
0x2cf: {  	s4 =	simm.s32 @!p1 $0x3C;
	s3 =	sand.u32 $0xFFFFFFFE, s9;
	_ =	swait.ge @p1 [sflag:s2], $0xA  }
0x2d0: {  	s5 =	simm.s32 @!p1 $0x0;
	s3 =	sadd.s32 @!p1 $0x4, s3;
	[sflag:s2] =	ssyncset.done @p1 $0x0  }
0x2d1: {  	s7 =	simm.s32 @!p1 $0x40;
	[sflag:s2] =	ssyncadd.s32 @p1 $0xFFFFFFF6;
	s2 =	sshll.u32 @!p1 s3, $0x1A  }
0x2d2: {  	s3 =	sshll.u32 @!p1 s3, $0xD;
	s2 =	sor.u32 @!p1 s2, s8;
	_ =	swait.eq @!p1 [sflag:s4], $0x1  }
0x2d3: {  	s3 =	sor.u32 @!p1 $0x1C04, s3;
	s4 =	simm.s32 @!p1 $0x1C03;
	s2 =	sor.u32 @!p1 $0x80004000, s2  }
0x2d4: {  	[spmem:s7], [sflag:s3] =	dma.general @!p1 [spmem:s5], [sflag:s4], length:$0x8, [dreg:$0x0], stride_count:$0x0, ici_dest:s2, dma_misc:DstOpCode:WRITE  }
0x2d5: {  	p2 =	slt.s32 s0, $0x2;
	s5 =	simm.s32 @!p1 $0x80;
	s7 =	simm.s32 @!p1 $0x82  }
0x2d6: {  	[spmem:s7], [sflag:s3] =	dma.general @!p1 [spmem:s5], [sflag:s4], length:$0x2, [dreg:$0x0], stride_count:$0x0, ici_dest:s2, dma_misc:DstOpCode:WRITE  }
.Ltmp30:
0x2d7: {  	s2 =	simm.s32 @!p1 $0x3;
	(pc) =	sbr.rel @p2 .LBB2_42-.Ltmp30, $4  }
0x2d8: {  	s3 =	sshll.u32 @!p1 s9, $0xE;
	_ =	swait.ge @!p1 [sflag:s2], $0xA  }
0x2d9: {  	s4 =	sshll.u32 @!p1 s8, $0x11;
	s3 =	sadd.s32 @!p1 $0x11C3C, s3;
	[sflag:s2] =	ssyncset.done @!p1 $0x0  }
0x2da: {  	[sflag:s2] =	ssyncadd.s32 @!p1 $0xFFFFFFF6;
	s2 =	sor.u32 @!p1 s4, s3  }
0x2db: {  	s0 =	simm.s32 $0x0;
	[sflag:s2] =	ssyncadd.remote.s32 @!p1 $0xFFFFFFFF  }
0x2dc: {  	s0 =	simm.s32 $0x2099  }
0x2dd: {  	v0 =	vld.msk [tilespmem:s0+$0x0], $0x1;
	_ =	sdelay $0x4  }
0x2de: {  	(v2sf) =	vpush v0, $0x0;
	_ =	sdelay $0xc  }
0x2df: {  	s2 =	sadd.s32 $0xFFFFFFFE, s6  }
0x2e0: {  	s2 =	sadd.s32 $0xFFFFFFFF, s2  }
0x2e1: {  	p2 =	sne.s32 s2, $0x0;
	s3 =	spop (v2sf)  }
.Ltmp31:
0x2e2: {  	p1 =	sgt.u32 s3, $0xC;
	(pc) =	sbr.rel @!p2 .LBB2_41-.Ltmp31, $4  }
0x2e3: {  	s5 =	simm.s32 $0x0;
	s4 =	sand.u32 @!p1 $0x8, s3  }
0x2e4: {  	s0 =	simm.s32 $0x20D8;
	s3 =	sand.u32 @!p1 $0x7, s3;
	s4 =	sadd.s32 @!p1 s1, s4  }
0x2e5: {  	[hbm4b:s4+s3] =	stream.linear.scatter @!p1 [tilespmem:s0], [sflag:$0x5], $0x20, $0x38;
	[tilespmem:$0xA748] =	vst v63  }
0x2e6: {  	s5 =	simm.s32 @!p1 $0x80;
	s3 =	simm.s32 $0x0;
	s4 =	simm.s32 $0x209A  }
.LBB2_40:
0x2e7: {  	v0 =	vld.msk [tilespmem:s4+$0x0], $0x1;
	s2 =	sadd.s32 $0xFFFFFFFF, s2;
	s3 =	sadd.s32 s3, s5  }
0x2e8: {  	p1 =	sne.s32 s2, $0x0;
	_ =	sdelay $0x3  }
0x2e9: {  	(v2sf) =	vpush v0, $0x0;
	_ =	sdelay $0xe  }
.Ltmp32:
0x2ea: {  	s6 =	spop (v2sf);
	(pc) =	sbr.rel @p1 .LBB2_40-.Ltmp32, $4  }
0x2eb: {  	s5 =	simm.s32 $0x0;
	p2 =	sgt.u32 s6, $0xC  }
0x2ec: {  	s0 =	sadd.s32 $0x20, s0;
	s5 =	simm.s32 @!p2 $0x80;
	s7 =	sand.u32 @!p2 $0x8, s6  }
0x2ed: {  	s4 =	sadd.s32 $0x1, s4;
	s6 =	sand.u32 @!p2 $0x7, s6;
	s7 =	sadd.s32 @!p2 s1, s7  }
0x2ee: {  	[hbm4b:s7+s6] =	stream.linear.scatter @!p2 [tilespmem:s0], [sflag:$0x5], $0x20, $0x38;
	[tilespmem:$0xA748] =	vst v63  }
.LBB2_41:
0x2ef: {  	s0 =	sadd.s32 s3, s5  }
0x2f0: {  	s0 =	sshrl.u32 s0, $0x2  }
.LBB2_42:
0x2f1: {  	s2 =	simm.s32 $0x5  }
0x2f2: {  	_ =	swait.ge [sflag:s2], s0  }
0x2f3: {  	s31 =	ssub.s32 $0x0, s0;
	[sflag:s2] =	ssyncset.done $0x0  }
0x2f4: {  	[sflag:s2] =	ssyncadd.s32 s31  }
0x2f5: {  	[sflag:s2] =	ssyncpa.u1 $0x1  }
.LBB2_43:
0x2f6: {  	s0 =	sor.u32 s13, s14  }
0x2f7: {  	p1 =	sne.s32 s0, $0x0  }
.Ltmp33:
0x2f8: {  	_ = 	snop;
	(pc) =	sbr.rel @p1 .LBB2_58-.Ltmp33, $3  }
0x2f9: {  	_ =	sdelay $0x1  }
0x2fa: {  	[bflag:$0x0] =	sbarrier.arrive $0xFFFF  }
0x2fb: {  	_ =	sfence  }
0x2fc: {  	s0 =	simm.s32 $0x7  }
0x2fd: {  	s2 =	simm.s32 $0x400;
	s3 =	simm.s32 $0x2098;
	[sflag:s0] =	ssyncpa.u1 $0x0  }
0x2fe: {  	[tilespmem:s3], [sflag:$0x7] =	stream.linear.gather [spmem:s2], $0x20, $0x38;
	[tilespmem:$0xA748] =	vst v63  }
0x2ff: {  	s30 =	simm.s32 $0x20B8;
	s2 =	simm.s32 $0x0  }
0x300: {  	[tilespmem:s30], [sflag:$0x7] =	stream.linear.gather [spmem:s2], $0x400, $0x38;
	[tilespmem:$0xA748] =	vst v63  }
.Ltmp34:
0x301: {  	_ = 	snop;
	(pc) =	sbr.rel .LBB2_45-.Ltmp34, $4  }
0x302: {  	_ =	swait.ge [sflag:s0], $0x420  }
0x303: {  	[sflag:s0] =	ssyncset.done $0x0  }
0x304: {  	s31 =	simm.s32 $0x8;
	[sflag:s0] =	ssyncadd.s32 $0xFFFFFBE0  }
0x305: {  	s3 =	simm.s32 $0x0;
	[sflag:s31] =	ssyncpa.u1 $0x0  }
.LBB2_51:
0x306: {  	p1 =	slt.u32 s0, $0xD  }
0x307: {  	s4 =	sand.u32 @p1 $0x8, s0  }
0x308: {  	s0 =	sand.u32 @p1 $0x7, s0;
	s5 =	simm.s32 @p1 $0x2068;
	s4 =	sadd.s32 @p1 s1, s4  }
0x309: {  	[tilespmem:s5], [sflag:$0x8] =	stream.linear.gather @p1 [hbm4b:s4+s0], $0x20, $0x38;
	[tilespmem:$0xA748] =	vst v63  }
0x30a: {  	s0 =	simm.s32 @p1 $0x8  }
0x30b: {  	_ =	swait.ge @p1 [sflag:s0], $0x20  }
0x30c: {  	[sflag:s0] =	ssyncset.done @p1 $0x0  }
0x30d: {  	[sflag:s0] =	ssyncadd.s32 @p1 $0xFFFFFFE0;
	s0 =	sshll.u32 @p1 s3, $0x7  }
0x30e: {  	s4 =	sshrl.u32 @p1 s0, $0x2;
	v1 =	vld @p1 [tilespmem:$0x2068]  }
0x30f: {  	v2 =	vld @p1 [tilespmem:s4+$0x20B8];
	_ =	sdelay $0x4  }
0x310: {  	v1 =	vmax.f32 @p1 v1, v2  }
0x311: {  	v2 =	vld @p1 [tilespmem:s4+$0x20C8];
	[tilespmem:s4+$0x20B8] =	vst @p1 v1  }
0x312: {  	v1 =	vld @p1 [tilespmem:$0x2078];
	_ =	sdelay $0x4  }
0x313: {  	s5 =	sshll.u32 @!p1 s3, $0x7;
	v1 =	vmax.f32 @p1 v1, v2  }
0x314: {  	s5 =	smov.u32 @p1 s0;
	[tilespmem:s4+$0x20C8] =	vst @p1 v1  }
0x315: {  	s0 =	sshrl.u32 s5, $0x2;
	[tilespmem:s2+$0x2098] =	vst.msk $0x1, v0  }
0x316: {  	v0 =	vld [tilespmem:s0+$0x20B8];
	_ =	sdelay $0x2  }
0x317: {  	s31 =	sshll.u32 s2, $0x7  }
0x318: {  	s4 =	sshra.s32 s31, $0x2  }
0x319: {  	[tilespmem:s4+$0x20B8] =	vst v0  }
0x31a: {  	v0 =	vld [tilespmem:s0+$0x20C8];
	_ =	sdelay $0x4  }
0x31b: {  	s2 =	sadd.s32 $0x1, s2;
	[tilespmem:s4+$0x20C8] =	vst v0  }
.LBB2_52:
0x31c: {  	s3 =	sadd.s32 $0x1, s3  }
0x31d: {  	p1 =	sne.s32 s3, $0x20  }
.Ltmp35:
0x31e: {  	_ = 	snop;
	(pc) =	sbr.rel @!p1 .LBB2_53-.Ltmp35, $1  }
0x31f: {  	_ =	sdelay $0x3  }
.LBB2_45:
0x320: {  	v0 =	vld.msk [tilespmem:s3+$0x2098], $0x1;
	_ =	sdelay $0x4  }
0x321: {  	(v2sf) =	vpush v0, $0x0;
	_ =	sdelay $0xe  }
0x322: {  	s0 =	spop (v2sf)  }
0x323: {  	p1 =	seq.s32 s0, $0xFFFFFFFF  }
.Ltmp36:
0x324: {  	_ = 	snop;
	(pc) =	sbr.rel @p1 .LBB2_52-.Ltmp36, $1  }
0x325: {  	_ =	sdelay $0x3  }
0x326: {  	p1 =	slt.s32 s2, $0x1  }
.Ltmp37:
0x327: {  	_ = 	snop;
	(pc) =	sbr.rel @p1 .LBB2_51-.Ltmp37, $1  }
0x328: {  	_ =	sdelay $0x3  }
0x329: {  	s4 =	simm.s32 $0x2098;
	p1 =	por $0x0, $0x0  }
0x32a: {  	v1 =	vld.msk @!p1 [tilespmem:s4+$0x0], $0x1;
	_ =	sdelay $0x4  }
0x32b: {  	(v2sf) =	vpush @!p1 v1, $0x0;
	_ =	sdelay $0xd  }
0x32c: {  	p3 =	sne.s32 s2, $0x1  }
.Ltmp38:
0x32d: {  	s5 =	spop @!p1 (v2sf);
	(pc) =	sbr.rel @!p3 .LBB2_49-.Ltmp38, $4  }
0x32e: {  	p2 =	seq.s32 @!p1 s0, s5  }
0x32f: {  	s5 =	simm.s32 $0x0;
	p2 =	por !p2, p1  }
0x330: {  	s7 =	simm.s32 $0xFFFFFFFF;
	s5 =	simm.s32 @p2 $0xFFFFFFFF  }
0x331: {  	s6 =	simm.s32 $0x1;
	s5 =	smov.u32 @p1 s7  }
.LBB2_48:
0x332: {  	s7 =	smov.u32 s5;
	p1 =	sne.s32 s5, $0xFFFFFFFF  }
0x333: {  	s4 =	sadd.s32 $0x1, s4;
	s5 =	smov.u32 s6;
	s6 =	sadd.s32 $0x1, s6  }
0x334: {  	p2 =	sne.s32 s2, s6;
	v1 =	vld.msk @!p1 [tilespmem:s4+$0x0], $0x1;
	_ =	sdelay $0x4  }
0x335: {  	(v2sf) =	vpush @!p1 v1, $0x0;
	_ =	sdelay $0xe  }
.Ltmp39:
0x336: {  	s8 =	spop @!p1 (v2sf);
	(pc) =	sbr.rel @p2 .LBB2_48-.Ltmp39, $4  }
0x337: {  	p3 =	seq.s32 @!p1 s0, s8  }
0x338: {  	p3 =	por !p3, p1  }
0x339: {  	s5 =	simm.s32 @p3 $0xFFFFFFFF  }
0x33a: {  	s5 =	smov.u32 @p1 s7  }
.LBB2_49:
0x33b: {  	p1 =	seq.s32 s5, $0xFFFFFFFF  }
.Ltmp40:
0x33c: {  	_ = 	snop;
	(pc) =	sbr.rel @p1 .LBB2_51-.Ltmp40, $1  }
0x33d: {  	_ =	sdelay $0x3  }
0x33e: {  	s0 =	sshll.u32 s3, $0x5  }
0x33f: {  	s4 =	sshll.u32 s5, $0x7;
	s0 =	sand.u32 $0x3FFFFFE0, s0  }
0x340: {  	s4 =	sshra.s32 s4, $0x2;
	v0 =	vld [tilespmem:s0+$0x20B8]  }
0x341: {  	v1 =	vld [tilespmem:s4+$0x20B8];
	_ =	sdelay $0x4  }
0x342: {  	v0 =	vmax.f32 v0, v1  }
0x343: {  	v63 =	vld [tilespmem:s4+$0x20C8];
	[tilespmem:s4+$0x20B8] =	vst v0  }
0x344: {  	v0 =	vld [tilespmem:s0+$0x20C8];
	_ =	sdelay $0x1  }
.Ltmp41:
0x345: {  	_ = 	snop;
	(pc) =	sbr.rel .LBB2_52-.Ltmp41, $3  }
0x346: {  	_ =	sdelay $0x1  }
0x347: {  	v0 =	vmax.f32 v0, v63  }
0x348: {  	[tilespmem:s4+$0x20C8] =	vst v0  }
.LBB2_53:
0x349: {  	p1 =	slt.s32 s2, $0x1  }
.Ltmp42:
0x34a: {  	_ = 	snop;
	(pc) =	sbr.rel @p1 .LBB2_57-.Ltmp42, $3  }
0x34b: {  	_ =	sdelay $0x1  }
0x34c: {  	s0 =	simm.s32 $0x8  }
0x34d: {  	[sflag:s0] =	ssyncpa.u1 $0x1;
	s0 =	simm.s32 $0x0  }
0x34e: {  	s3 =	simm.s32 $0x2098  }
0x34f: {  	v0 =	vld.msk [tilespmem:s3+$0x0], $0x1;
	_ =	sdelay $0x4  }
0x350: {  	(v2sf) =	vpush v0, $0x0;
	_ =	sdelay $0xe  }
0x351: {  	s2 =	sadd.s32 $0xFFFFFFFF, s2;
	s4 =	spop (v2sf)  }
0x352: {  	p2 =	sne.s32 s2, $0x0;
	p1 =	sgt.u32 s4, $0xC  }
.Ltmp43:
0x353: {  	s5 =	sand.u32 @!p1 $0x8, s4;
	(pc) =	sbr.rel @!p2 .LBB2_56-.Ltmp43, $4  }
0x354: {  	s3 =	simm.s32 $0x20B8;
	s4 =	sand.u32 @!p1 $0x7, s4;
	s5 =	sadd.s32 @!p1 s1, s5  }
0x355: {  	[hbm4b:s5+s4] =	stream.linear.scatter @!p1 [tilespmem:s3], [sflag:$0x7], $0x20, $0x38;
	[tilespmem:$0xA748] =	vst v63  }
0x356: {  	s5 =	simm.s32 $0x0  }
0x357: {  	s4 =	simm.s32 $0x2099;
	s5 =	simm.s32 @!p1 $0x80  }
.LBB2_55:
0x358: {  	v0 =	vld.msk [tilespmem:s4+$0x0], $0x1;
	s2 =	sadd.s32 $0xFFFFFFFF, s2;
	s0 =	sadd.s32 s0, s5  }
0x359: {  	p1 =	sne.s32 s2, $0x0;
	_ =	sdelay $0x3  }
0x35a: {  	(v2sf) =	vpush v0, $0x0;
	_ =	sdelay $0xe  }
.Ltmp44:
0x35b: {  	s6 =	spop (v2sf);
	(pc) =	sbr.rel @p1 .LBB2_55-.Ltmp44, $4  }
0x35c: {  	s5 =	simm.s32 $0x0;
	p2 =	sgt.u32 s6, $0xC  }
0x35d: {  	s3 =	sadd.s32 $0x20, s3;
	s5 =	simm.s32 @!p2 $0x80;
	s7 =	sand.u32 @!p2 $0x8, s6  }
0x35e: {  	s4 =	sadd.s32 $0x1, s4;
	s6 =	sand.u32 @!p2 $0x7, s6;
	s7 =	sadd.s32 @!p2 s1, s7  }
0x35f: {  	[hbm4b:s7+s6] =	stream.linear.scatter @!p2 [tilespmem:s3], [sflag:$0x7], $0x20, $0x38;
	[tilespmem:$0xA748] =	vst v63  }
.LBB2_56:
0x360: {  	s0 =	sadd.s32 s0, s5  }
0x361: {  	s0 =	sshrl.u32 s0, $0x2  }
.LBB2_57:
0x362: {  	s1 =	simm.s32 $0x7  }
0x363: {  	_ =	swait.ge [sflag:s1], s0  }
0x364: {  	s31 =	ssub.s32 $0x0, s0;
	[sflag:s1] =	ssyncset.done $0x0  }
0x365: {  	[sflag:s1] =	ssyncadd.s32 s31  }
0x366: {  	[sflag:s1] =	ssyncpa.u1 $0x1  }
.LBB2_58:
0x367: {  	_ =	sfence;
	s0 =	simm.s32 $0x1  }
0x368: {  	[sflag:s0] =	ssyncpa.u1 $0x1  }
0x369: {  	_ =	strace $0x9000004D  }
0x36a: {  	[bflag:$0x2] =	sbarrier.arrive $0xFFFF  }
0x36b: {  	s0 =	rddreg [dreg:$0x4]  }
0x36c: {  	s0 =	sadd.s32 @!p0 $0x100000, s0  }
0x36d: {  	[sflag:s0] =	ssyncadd.tile.s32 @!p0 $0x1;
	_ =	shalt  }
.Lfunc_end2:
_tile_overlayer_lowered:
.L_overlay_start_2:
0x36e: {  	(tag) =	ssettag $0x2  }
0x36f: {  	s0 =	rddreg [dreg:$0x0];
	s2 =	stileid.u32  }
0x370: {  	s1 =	rddreg [dreg:$0x1];
	p0 =	sne.s32 s2, $0x0  }
0x371: {  	s3 =	rddreg [dreg:$0x2];
	[bflag:$0x3] =	sbarrier.arrive $0xFFFF;
	s2 =	simm.s32 @!p0 $0x1C01  }
0x372: {  	[timem:s3], [sflag:s2] =	dma.local @!p0 [hbm:s0], s1  }
0x373: {  	s0 =	simm.s32 @!p0 $0x1  }
0x374: {  	_ =	swait.ge @!p0 [sflag:s0], s1  }
0x375: {  	s1 =	ssub.s32 @!p0 $0x0, s1;
	[sflag:s0] =	ssyncset.done @!p0 $0x0  }
0x376: {  	[sflag:s0] =	ssyncadd.s32 @!p0 s1  }
0x377: {  	[bflag:$0x3] =	sbarrier.arrive $0xFFFF  }
0x378: {  	_ =	shalt  }

</sc_bundles>
